<compile_context>
chip_gen: v7x
topology: tpu7x:2x2x1
jax: 0.10.2.dev20260603
libtpu: 0.0.44.dev20260713+nightly
codegen_flags: <defaults>
</compile_context>

<pallas_src>
import functools

import jax
import jax.numpy as jnp
from jax import lax
from jax.experimental import pallas as pl
from jax.experimental.pallas import tpu as pltpu
from jax.experimental.pallas import tpu_sc as plsc

B = 1024
L = 50
NUM_EDGES = 1000
EDGE_DIM = 128
DIRECTION = 8
DIR_DIM = 32
HID = 512
PRE_LEN = 5
LINK_OUT = NUM_EDGES * PRE_LEN
DIR_OUT = DIRECTION * PRE_LEN

N_TOK = B * L
_CHUNK = 80
_SEG = 400
_OH = 128
_KCAT = EDGE_DIM + _OH + HID

_TRANS_B = (((1,), (1,)), ((), ()))


def _sc_gather(link_emb, idx_link):
    info = plsc.get_sparse_core_info()
    nc, ns = info.num_cores, info.num_subcores
    nw = nc * ns
    per_w = N_TOK // nw
    n_seg = per_w // _SEG

    mesh = plsc.VectorSubcoreMesh(core_axis_name="c", subcore_axis_name="s")

    @functools.partial(
        pl.kernel,
        mesh=mesh,
        out_type=jax.ShapeDtypeStruct((N_TOK, EDGE_DIM), jnp.float32),
        scratch_types=[
            pltpu.VMEM((per_w,), jnp.int32),
            pltpu.VMEM((_SEG, EDGE_DIM), jnp.float32),
            pltpu.VMEM((_SEG, EDGE_DIM), jnp.float32),
            pltpu.SemaphoreType.DMA,
            pltpu.SemaphoreType.DMA,
            pltpu.SemaphoreType.DMA,
            pltpu.SemaphoreType.DMA,
        ],
    )
    def gather_k(link_hbm, il_hbm, out_l, il_v, rows0, rows1, g0, g1, w0, w1):
        wid = lax.axis_index("s") * nc + lax.axis_index("c")
        base = wid * per_w
        pltpu.sync_copy(il_hbm.at[pl.ds(base, per_w)], il_v)
        rows = (rows0, rows1)
        gsem = (g0, g1)
        wsem = (w0, w1)
        wb = [None, None]
        for seg in range(n_seg):
            bi = seg & 1
            if wb[bi] is not None:
                wb[bi].wait()
            cps = []
            for k in range(_SEG // _CHUNK):
                off = seg * _SEG + k * _CHUNK
                cps.append(pltpu.async_copy(
                    link_hbm.at[il_v.at[pl.ds(off, _CHUNK)]],
                    rows[bi].at[pl.ds(k * _CHUNK, _CHUNK)],
                    gsem[bi]))
            for c in cps:
                c.wait()
            wb[bi] = pltpu.async_copy(
                rows[bi], out_l.at[pl.ds(base + seg * _SEG, _SEG)], wsem[bi])
        wb[0].wait()
        wb[1].wait()

    return gather_k(link_emb, idx_link)


def _lstm_body(len_ref, bias_ref, wih_ref, whh_ref, dir128_ref,
               xl_ref, di_ref, out_ref, h_scr, c_scr, xcat_scr, wcat_scr):
    t = pl.program_id(0)

    @pl.when(t == 0)
    def _():
        h_scr[...] = jnp.zeros_like(h_scr)
        c_scr[...] = jnp.zeros_like(c_scr)
        xcat_scr[:, EDGE_DIM + _OH:] = jnp.zeros((B, HID), jnp.bfloat16)
        r = lax.broadcasted_iota(jnp.int32, (4 * HID, 1), 0)
        is_g = (r >= 2 * HID) & (r < 3 * HID)
        s = jnp.where(is_g, jnp.float32(1.0), jnp.float32(0.5))
        wcat_scr[:, :EDGE_DIM] = (
            wih_ref[:, :EDGE_DIM] * s).astype(jnp.bfloat16)
        pdw = lax.dot_general(wih_ref[:, EDGE_DIM:], dir128_ref[...],
                              _TRANS_B, preferred_element_type=jnp.float32)
        wcat_scr[:, EDGE_DIM:EDGE_DIM + _OH] = (
            (pdw + bias_ref[...]) * s).astype(jnp.bfloat16)
        wcat_scr[:, EDGE_DIM + _OH:] = (whh_ref[...] * s).astype(jnp.bfloat16)

    xcat_scr[:, :EDGE_DIM] = xl_ref[0].astype(jnp.bfloat16)
    xcat_scr[:, EDGE_DIM:EDGE_DIM + _OH] = (
        lax.broadcasted_iota(jnp.int32, (B, _OH), 1)
        == di_ref[0]).astype(jnp.bfloat16)
    gates = lax.dot_general(xcat_scr[...], wcat_scr[...], _TRANS_B,
                            preferred_element_type=jnp.float32)
    i = 0.5 * jnp.tanh(gates[:, 0:HID]) + 0.5
    f = 0.5 * jnp.tanh(gates[:, HID:2 * HID]) + 0.5
    g = jnp.tanh(gates[:, 2 * HID:3 * HID])
    o = 0.5 * jnp.tanh(gates[:, 3 * HID:4 * HID]) + 0.5
    c_new = f * c_scr[...] + i * g
    h_new = o * jnp.tanh(c_new)
    valid = t < len_ref[...]
    h = jnp.where(valid, h_new, h_scr[...])
    h_scr[...] = h
    c_scr[...] = jnp.where(valid, c_new, c_scr[...])
    xcat_scr[:, EDGE_DIM + _OH:] = h.astype(jnp.bfloat16)

    @pl.when(t == L - 1)
    def _():
        out_ref[...] = h_scr[...]


def _run_lstm(len_i32, bias, W_ih, W_hh, dir128, xl, di):
    return pl.pallas_call(
        _lstm_body,
        grid=(L,),
        in_specs=[
            pl.BlockSpec((B, 1), lambda t: (0, 0)),
            pl.BlockSpec((4 * HID, 1), lambda t: (0, 0)),
            pl.BlockSpec((4 * HID, EDGE_DIM + DIR_DIM), lambda t: (0, 0)),
            pl.BlockSpec((4 * HID, HID), lambda t: (0, 0)),
            pl.BlockSpec((_OH, DIR_DIM), lambda t: (0, 0)),
            pl.BlockSpec((1, B, EDGE_DIM), lambda t: (t, 0, 0)),
            pl.BlockSpec((1, B, 1), lambda t: (t, 0, 0)),
        ],
        out_specs=pl.BlockSpec((B, HID), lambda t: (0, 0)),
        out_shape=jax.ShapeDtypeStruct((B, HID), jnp.float32),
        scratch_shapes=[
            pltpu.VMEM((B, HID), jnp.float32),
            pltpu.VMEM((B, HID), jnp.float32),
            pltpu.VMEM((B, _KCAT), jnp.bfloat16),
            pltpu.VMEM((4 * HID, _KCAT), jnp.bfloat16),
        ],
        compiler_params=pltpu.CompilerParams(
            dimension_semantics=("arbitrary",)),
    )(len_i32, bias, W_ih, W_hh, dir128, xl, di)


def _proj_body(h_ref, w_ref, b_ref, o_ref):
    h_bf = h_ref[...].astype(jnp.bfloat16)
    w_bf = w_ref[...].astype(jnp.bfloat16)
    o_ref[...] = lax.dot_general(
        h_bf, w_bf, _TRANS_B,
        preferred_element_type=jnp.float32) + b_ref[...]


def _run_proj(h, w, bias, n_out, bn):
    nb_n = (n_out + bn - 1) // bn
    nb_m = B // 256
    return pl.pallas_call(
        _proj_body,
        grid=(nb_n, nb_m),
        in_specs=[
            pl.BlockSpec((256, HID), lambda n, m: (m, 0)),
            pl.BlockSpec((bn, HID), lambda n, m: (n, 0)),
            pl.BlockSpec((1, bn), lambda n, m: (0, n)),
        ],
        out_specs=pl.BlockSpec((256, bn), lambda n, m: (m, n)),
        out_shape=jax.ShapeDtypeStruct((B, n_out), jnp.float32),
        compiler_params=pltpu.CompilerParams(
            dimension_semantics=("arbitrary", "arbitrary")),
    )(h, w, bias)


def kernel(inputs, directions, mask, link_emb, dir_emb, W_ih, W_hh,
           b_ih, b_hh, W_link, b_link, W_dir, b_dir):
    idx_l = inputs.astype(jnp.int32).T.reshape(-1)
    di = directions.astype(jnp.int32).T.reshape(L, B, 1)
    dir128 = jnp.pad(dir_emb, ((0, _OH - DIRECTION - 1), (0, 0)))
    bias = (b_ih + b_hh).reshape(4 * HID, 1)
    len_i32 = mask.astype(jnp.int32).reshape(B, 1)

    lrows = _sc_gather(link_emb, idx_l)
    xl = lrows.reshape(L, B, EDGE_DIM)
    h_n = _run_lstm(len_i32, bias, W_ih, W_hh, dir128, xl, di)

    pred = _run_proj(h_n, W_link, b_link.reshape(1, LINK_OUT),
                     LINK_OUT, 1280)
    pred_d = _run_proj(h_n, W_dir, b_dir.reshape(1, DIR_OUT),
                       DIR_OUT, DIR_OUT)
    return (pred, pred_d)

# --- scband reference (transcript-rebuilt; emitter-appended) ---
"""Pipeline reference for scband-rnn-73710228734664 (READ-ONLY COPY).

The authoritative reference and input builder live on the scoring server;
editing this copy changes nothing except your own understanding.
"""

import jax, jax.numpy as jnp
import numpy as np

B = 1024
L = 50
NUM_EDGES = 1000
EDGE_DIM = 128
DIRECTION = 8
DIR_DIM = 32
HID = 512
PRE_LEN = 5
IN_DIM = EDGE_DIM + DIR_DIM


def setup_inputs(seed: int = 0) -> dict:
    key = jax.random.key(seed)
    ks = jax.random.split(key, 16)
    inputs = jax.random.randint(ks[0], (B, L), 0, NUM_EDGES + 1, dtype=jnp.int64 if jax.config.jax_enable_x64 else jnp.int32)
    directions = jax.random.randint(ks[1], (B, L), 0, DIRECTION + 1, dtype=jnp.int64 if jax.config.jax_enable_x64 else jnp.int32)
    # lengths for pack_padded_sequence: must be >= 1
    mask = jnp.clip(jax.random.randint(ks[2], (B,), 0, L), 1, L)
    s = 0.05
    link_emb = jax.random.normal(ks[3], (NUM_EDGES + 1, EDGE_DIM), dtype=jnp.float32) * s
    link_emb = link_emb.at[0].set(0.0)  # padding_idx=0
    dir_emb = jax.random.normal(ks[4], (DIRECTION + 1, DIR_DIM), dtype=jnp.float32) * s
    dir_emb = dir_emb.at[0].set(0.0)  # padding_idx=0
    W_ih = jax.random.normal(ks[5], (4 * HID, IN_DIM), dtype=jnp.float32) * s
    W_hh = jax.random.normal(ks[6], (4 * HID, HID), dtype=jnp.float32) * s
    b_ih = jax.random.normal(ks[7], (4 * HID,), dtype=jnp.float32) * s
    b_hh = jax.random.normal(ks[8], (4 * HID,), dtype=jnp.float32) * s
    W_link = jax.random.normal(ks[9], (NUM_EDGES * PRE_LEN, HID), dtype=jnp.float32) * s
    b_link = jax.random.normal(ks[10], (NUM_EDGES * PRE_LEN,), dtype=jnp.float32) * s
    W_dir = jax.random.normal(ks[11], (DIRECTION * PRE_LEN, HID), dtype=jnp.float32) * s
    b_dir = jax.random.normal(ks[12], (DIRECTION * PRE_LEN,), dtype=jnp.float32) * s
    return {"inputs": inputs, "directions": directions, "mask": mask,
            "link_emb": link_emb, "dir_emb": dir_emb,
            "W_ih": W_ih, "W_hh": W_hh, "b_ih": b_ih, "b_hh": b_hh,
            "W_link": W_link, "b_link": b_link, "W_dir": W_dir, "b_dir": b_dir}


def _lstm_packed(embs, lengths, W_ih, W_hh, b_ih, b_hh):
    # embs: [B, L, IN_DIM]; emulates pack_padded_sequence -> LSTM -> h_n
    xs = jnp.transpose(embs, (1, 0, 2))  # [L, B, D]
    ts = jnp.arange(xs.shape[0])
    h0 = jnp.zeros((embs.shape[0], HID), dtype=embs.dtype)
    c0 = jnp.zeros((embs.shape[0], HID), dtype=embs.dtype)

    def step(carry, xt):
        h, c = carry
        x_t, t = xt
        gates = x_t @ W_ih.T + b_ih + h @ W_hh.T + b_hh
        i, f, g, o = jnp.split(gates, 4, axis=-1)
        i = jax.nn.sigmoid(i)
        f = jax.nn.sigmoid(f)
        g = jnp.tanh(g)
        o = jax.nn.sigmoid(o)
        c_new = f * c + i * g
        h_new = o * jnp.tanh(c_new)
        valid = (t < lengths)[:, None]
        h = jnp.where(valid, h_new, h)
        c = jnp.where(valid, c_new, c)
        return (h, c), None

    (h_n, c_n), _ = jax.lax.scan(step, (h0, c0), (xs, ts))
    return h_n


def reference(inputs, directions, mask, link_emb, dir_emb, W_ih, W_hh, b_ih, b_hh, W_link, b_link, W_dir, b_dir):
    link_embs = jnp.take(link_emb, inputs, axis=0)        # [B, L, EDGE_DIM]
    direction_embs = jnp.take(dir_emb, directions, axis=0)  # [B, L, DIR_DIM]
    embs = jnp.concatenate((link_embs, direction_embs), axis=-1)
    out = _lstm_packed(embs, mask, W_ih, W_hh, b_ih, b_hh)  # squeeze(h_n) -> [B, HID]
    pred = out @ W_link.T + b_link        # [B, NUM_EDGES*PRE_LEN]
    pred_d = out @ W_dir.T + b_dir        # [B, DIRECTION*PRE_LEN]
    return (pred, pred_d)

if __name__ == "__main__":
    import jax
    _d = setup_inputs()
    print(jax.jit(kernel)(*tuple(_d.values())))

</pallas_src>

<mosaic_0001>
#map = affine_map<(d0, d1) -> (0, 0)>
#map1 = affine_map<(d0, d1) -> (0)>
module attributes {stable_mosaic.version = 14 : i64} {
  func.func @gather_k(%arg0: i32, %arg1: i32, %arg2: memref<1001x128xf32, #tpu.memory_space<hbm>>, %arg3: memref<51200xi32, #tpu.memory_space<hbm>>, %arg4: memref<51200x128xf32, #tpu.memory_space<hbm>>, %arg5: memref<1600xi32, #tpu.memory_space<vmem>>, %arg6: memref<400x128xf32, #tpu.memory_space<vmem>>, %arg7: memref<400x128xf32, #tpu.memory_space<vmem>>, %arg8: memref<!tpu.dma_semaphore, #tpu.memory_space<semaphore_mem>>, %arg9: memref<!tpu.dma_semaphore, #tpu.memory_space<semaphore_mem>>, %arg10: memref<!tpu.dma_semaphore, #tpu.memory_space<semaphore_mem>>, %arg11: memref<!tpu.dma_semaphore, #tpu.memory_space<semaphore_mem>>) attributes {dimension_semantics = [#tpu.dimension_semantics<core_parallel>, #tpu.dimension_semantics<subcore_parallel>], iteration_bounds = array<i64: 2, 16>, scalar_prefetch = 0 : i64, scratch_operands = 7 : i64, tpu.core_type = #tpu.core_type<sc_vector_subcore>, window_params = [{transform_indices = #map}, {transform_indices = #map1}, {transform_indices = #map}]} {
    %mul3A = arith.constant 2 : i32
    %mul3A_0 = arith.muli %arg1, %mul3A : i32
    %add3A = arith.addi %mul3A_0, %arg0 : i32
    %mul3A_1 = arith.constant 1600 : i32
    %mul3A_2 = arith.muli %add3A, %mul3A_1 : i32
    "tpu.region"() ({
      %run_scoped3A = tpu.sem_alloc : memref<!tpu.dma_semaphore, #tpu.memory_space<semaphore_mem>>
      %dma_start3A_361 = tpu.memref_slice %arg3[%mul3A_2] : memref<51200xi32, #tpu.memory_space<hbm>> -> memref<1600xi32, #tpu.memory_space<hbm>>
      %dma_start3A_362 = tpu.memref_slice %arg3[%mul3A_2] : memref<51200xi32, #tpu.memory_space<hbm>> -> memref<1600xi32, #tpu.memory_space<hbm>>
      tpu.enqueue_dma source(%dma_start3A_362 : memref<1600xi32, #tpu.memory_space<hbm>>) target(%arg5 : memref<1600xi32, #tpu.memory_space<vmem>>) target_semaphore(%run_scoped3A : memref<!tpu.dma_semaphore, #tpu.memory_space<semaphore_mem>>)
      %dma_wait3A_363 = tpu.memref_slice %arg3[%mul3A_2] : memref<51200xi32, #tpu.memory_space<hbm>> -> memref<1600xi32, #tpu.memory_space<hbm>>
      %dma_wait3A_364 = tpu.memref_slice %arg3[%mul3A_2] : memref<51200xi32, #tpu.memory_space<hbm>> -> memref<1600xi32, #tpu.memory_space<hbm>>
      tpu.wait_dma2 semaphore(%run_scoped3A : memref<!tpu.dma_semaphore, #tpu.memory_space<semaphore_mem>>) src(%dma_wait3A_364 : memref<1600xi32, #tpu.memory_space<hbm>>) dst(%arg5 : memref<1600xi32, #tpu.memory_space<vmem>>)
      tpu.yield
    }) : () -> ()
    %dma_start3A = arith.constant 0 : i32
    %dma_start3A_3 = arith.constant 0 : i32
    %dma_start3A_4 = tpu.memref_slice %arg6[%dma_start3A, %dma_start3A_3] : memref<400x128xf32, #tpu.memory_space<vmem>> -> memref<80x128xf32, #tpu.memory_space<vmem>>
    %dma_start3A_5 = arith.constant 0 : i32
    %dma_start3A_6 = tpu.memref_slice %arg5[%dma_start3A_5] : memref<1600xi32, #tpu.memory_space<vmem>> -> memref<80xi32, #tpu.memory_space<vmem>>
    %dma_start3A_7 = arith.constant 0 : i32
    %dma_start3A_8 = arith.constant 0 : i32
    %dma_start3A_9 = tpu.memref_slice %arg2[%dma_start3A_7, %dma_start3A_8] : memref<1001x128xf32, #tpu.memory_space<hbm>> -> memref<1001x128xf32, #tpu.memory_space<hbm>>
    tpu.enqueue_indirect_dma source(%dma_start3A_9 : memref<1001x128xf32, #tpu.memory_space<hbm>>) target(%dma_start3A_4 : memref<80x128xf32, #tpu.memory_space<vmem>>) offsets(%dma_start3A_6 : memref<80xi32, #tpu.memory_space<vmem>>) semaphore(%arg8 : memref<!tpu.dma_semaphore, #tpu.memory_space<semaphore_mem>>)
    %dma_start3A_10 = arith.constant 80 : i32
    %dma_start3A_11 = arith.constant 0 : i32
    %dma_start3A_12 = tpu.memref_slice %arg6[%dma_start3A_10, %dma_start3A_11] : memref<400x128xf32, #tpu.memory_space<vmem>> -> memref<80x128xf32, #tpu.memory_space<vmem>>
    %dma_start3A_13 = arith.constant 80 : i32
    %dma_start3A_14 = tpu.memref_slice %arg5[%dma_start3A_13] : memref<1600xi32, #tpu.memory_space<vmem>> -> memref<80xi32, #tpu.memory_space<vmem>>
    %dma_start3A_15 = arith.constant 0 : i32
    %dma_start3A_16 = arith.constant 0 : i32
    %dma_start3A_17 = tpu.memref_slice %arg2[%dma_start3A_15, %dma_start3A_16] : memref<1001x128xf32, #tpu.memory_space<hbm>> -> memref<1001x128xf32, #tpu.memory_space<hbm>>
    tpu.enqueue_indirect_dma source(%dma_start3A_17 : memref<1001x128xf32, #tpu.memory_space<hbm>>) target(%dma_start3A_12 : memref<80x128xf32, #tpu.memory_space<vmem>>) offsets(%dma_start3A_14 : memref<80xi32, #tpu.memory_space<vmem>>) semaphore(%arg8 : memref<!tpu.dma_semaphore, #tpu.memory_space<semaphore_mem>>)
    %dma_start3A_18 = arith.constant 160 : i32
    %dma_start3A_19 = arith.constant 0 : i32
    %dma_start3A_20 = tpu.memref_slice %arg6[%dma_start3A_18, %dma_start3A_19] : memref<400x128xf32, #tpu.memory_space<vmem>> -> memref<80x128xf32, #tpu.memory_space<vmem>>
    %dma_start3A_21 = arith.constant 160 : i32
    %dma_start3A_22 = tpu.memref_slice %arg5[%dma_start3A_21] : memref<1600xi32, #tpu.memory_space<vmem>> -> memref<80xi32, #tpu.memory_space<vmem>>
    %dma_start3A_23 = arith.constant 0 : i32
    %dma_start3A_24 = arith.constant 0 : i32
    %dma_start3A_25 = tpu.memref_slice %arg2[%dma_start3A_23, %dma_start3A_24] : memref<1001x128xf32, #tpu.memory_space<hbm>> -> memref<1001x128xf32, #tpu.memory_space<hbm>>
    tpu.enqueue_indirect_dma source(%dma_start3A_25 : memref<1001x128xf32, #tpu.memory_space<hbm>>) target(%dma_start3A_20 : memref<80x128xf32, #tpu.memory_space<vmem>>) offsets(%dma_start3A_22 : memref<80xi32, #tpu.memory_space<vmem>>) semaphore(%arg8 : memref<!tpu.dma_semaphore, #tpu.memory_space<semaphore_mem>>)
    %dma_start3A_26 = arith.constant 240 : i32
    %dma_start3A_27 = arith.constant 0 : i32
    %dma_start3A_28 = tpu.memref_slice %arg6[%dma_start3A_26, %dma_start3A_27] : memref<400x128xf32, #tpu.memory_space<vmem>> -> memref<80x128xf32, #tpu.memory_space<vmem>>
    %dma_start3A_29 = arith.constant 240 : i32
    %dma_start3A_30 = tpu.memref_slice %arg5[%dma_start3A_29] : memref<1600xi32, #tpu.memory_space<vmem>> -> memref<80xi32, #tpu.memory_space<vmem>>
    %dma_start3A_31 = arith.constant 0 : i32
    %dma_start3A_32 = arith.constant 0 : i32
    %dma_start3A_33 = tpu.memref_slice %arg2[%dma_start3A_31, %dma_start3A_32] : memref<1001x128xf32, #tpu.memory_space<hbm>> -> memref<1001x128xf32, #tpu.memory_space<hbm>>
    tpu.enqueue_indirect_dma source(%dma_start3A_33 : memref<1001x128xf32, #tpu.memory_space<hbm>>) target(%dma_start3A_28 : memref<80x128xf32, #tpu.memory_space<vmem>>) offsets(%dma_start3A_30 : memref<80xi32, #tpu.memory_space<vmem>>) semaphore(%arg8 : memref<!tpu.dma_semaphore, #tpu.memory_space<semaphore_mem>>)
    %dma_start3A_34 = arith.constant 320 : i32
    %dma_start3A_35 = arith.constant 0 : i32
    %dma_start3A_36 = tpu.memref_slice %arg6[%dma_start3A_34, %dma_start3A_35] : memref<400x128xf32, #tpu.memory_space<vmem>> -> memref<80x128xf32, #tpu.memory_space<vmem>>
    %dma_start3A_37 = arith.constant 320 : i32
    %dma_start3A_38 = tpu.memref_slice %arg5[%dma_start3A_37] : memref<1600xi32, #tpu.memory_space<vmem>> -> memref<80xi32, #tpu.memory_space<vmem>>
    %dma_start3A_39 = arith.constant 0 : i32
    %dma_start3A_40 = arith.constant 0 : i32
    %dma_start3A_41 = tpu.memref_slice %arg2[%dma_start3A_39, %dma_start3A_40] : memref<1001x128xf32, #tpu.memory_space<hbm>> -> memref<1001x128xf32, #tpu.memory_space<hbm>>
    tpu.enqueue_indirect_dma source(%dma_start3A_41 : memref<1001x128xf32, #tpu.memory_space<hbm>>) target(%dma_start3A_36 : memref<80x128xf32, #tpu.memory_space<vmem>>) offsets(%dma_start3A_38 : memref<80xi32, #tpu.memory_space<vmem>>) semaphore(%arg8 : memref<!tpu.dma_semaphore, #tpu.memory_space<semaphore_mem>>)
    %dma_wait3A = arith.constant 0 : i32
    %dma_wait3A_42 = arith.constant 0 : i32
    %dma_wait3A_43 = tpu.memref_slice %arg6[%dma_wait3A, %dma_wait3A_42] : memref<400x128xf32, #tpu.memory_space<vmem>> -> memref<80x128xf32, #tpu.memory_space<vmem>>
    %dma_wait3A_44 = arith.constant 0 : i32
    %dma_wait3A_45 = tpu.memref_slice %arg5[%dma_wait3A_44] : memref<1600xi32, #tpu.memory_space<vmem>> -> memref<80xi32, #tpu.memory_space<vmem>>
    %dma_wait3A_46 = arith.constant 0 : i32
    %dma_wait3A_47 = arith.constant 0 : i32
    %dma_wait3A_48 = tpu.memref_slice %arg2[%dma_wait3A_46, %dma_wait3A_47] : memref<1001x128xf32, #tpu.memory_space<hbm>> -> memref<1001x128xf32, #tpu.memory_space<hbm>>
    tpu.wait_indirect_dma semaphore(%arg8 : memref<!tpu.dma_semaphore, #tpu.memory_space<semaphore_mem>>) src(%dma_wait3A_48 : memref<1001x128xf32, #tpu.memory_space<hbm>>) dst(%dma_wait3A_43 : memref<80x128xf32, #tpu.memory_space<vmem>>)
    %dma_wait3A_49 = arith.constant 80 : i32
    %dma_wait3A_50 = arith.constant 0 : i32
    %dma_wait3A_51 = tpu.memref_slice %arg6[%dma_wait3A_49, %dma_wait3A_50] : memref<400x128xf32, #tpu.memory_space<vmem>> -> memref<80x128xf32, #tpu.memory_space<vmem>>
    %dma_wait3A_52 = arith.constant 80 : i32
    %dma_wait3A_53 = tpu.memref_slice %arg5[%dma_wait3A_52] : memref<1600xi32, #tpu.memory_space<vmem>> -> memref<80xi32, #tpu.memory_space<vmem>>
    %dma_wait3A_54 = arith.constant 0 : i32
    %dma_wait3A_55 = arith.constant 0 : i32
    %dma_wait3A_56 = tpu.memref_slice %arg2[%dma_wait3A_54, %dma_wait3A_55] : memref<1001x128xf32, #tpu.memory_space<hbm>> -> memref<1001x128xf32, #tpu.memory_space<hbm>>
    tpu.wait_indirect_dma semaphore(%arg8 : memref<!tpu.dma_semaphore, #tpu.memory_space<semaphore_mem>>) src(%dma_wait3A_56 : memref<1001x128xf32, #tpu.memory_space<hbm>>) dst(%dma_wait3A_51 : memref<80x128xf32, #tpu.memory_space<vmem>>)
    %dma_wait3A_57 = arith.constant 160 : i32
    %dma_wait3A_58 = arith.constant 0 : i32
    %dma_wait3A_59 = tpu.memref_slice %arg6[%dma_wait3A_57, %dma_wait3A_58] : memref<400x128xf32, #tpu.memory_space<vmem>> -> memref<80x128xf32, #tpu.memory_space<vmem>>
    %dma_wait3A_60 = arith.constant 160 : i32
    %dma_wait3A_61 = tpu.memref_slice %arg5[%dma_wait3A_60] : memref<1600xi32, #tpu.memory_space<vmem>> -> memref<80xi32, #tpu.memory_space<vmem>>
    %dma_wait3A_62 = arith.constant 0 : i32
    %dma_wait3A_63 = arith.constant 0 : i32
    %dma_wait3A_64 = tpu.memref_slice %arg2[%dma_wait3A_62, %dma_wait3A_63] : memref<1001x128xf32, #tpu.memory_space<hbm>> -> memref<1001x128xf32, #tpu.memory_space<hbm>>
    tpu.wait_indirect_dma semaphore(%arg8 : memref<!tpu.dma_semaphore, #tpu.memory_space<semaphore_mem>>) src(%dma_wait3A_64 : memref<1001x128xf32, #tpu.memory_space<hbm>>) dst(%dma_wait3A_59 : memref<80x128xf32, #tpu.memory_space<vmem>>)
    %dma_wait3A_65 = arith.constant 240 : i32
    %dma_wait3A_66 = arith.constant 0 : i32
    %dma_wait3A_67 = tpu.memref_slice %arg6[%dma_wait3A_65, %dma_wait3A_66] : memref<400x128xf32, #tpu.memory_space<vmem>> -> memref<80x128xf32, #tpu.memory_space<vmem>>
    %dma_wait3A_68 = arith.constant 240 : i32
    %dma_wait3A_69 = tpu.memref_slice %arg5[%dma_wait3A_68] : memref<1600xi32, #tpu.memory_space<vmem>> -> memref<80xi32, #tpu.memory_space<vmem>>
    %dma_wait3A_70 = arith.constant 0 : i32
    %dma_wait3A_71 = arith.constant 0 : i32
    %dma_wait3A_72 = tpu.memref_slice %arg2[%dma_wait3A_70, %dma_wait3A_71] : memref<1001x128xf32, #tpu.memory_space<hbm>> -> memref<1001x128xf32, #tpu.memory_space<hbm>>
    tpu.wait_indirect_dma semaphore(%arg8 : memref<!tpu.dma_semaphore, #tpu.memory_space<semaphore_mem>>) src(%dma_wait3A_72 : memref<1001x128xf32, #tpu.memory_space<hbm>>) dst(%dma_wait3A_67 : memref<80x128xf32, #tpu.memory_space<vmem>>)
    %dma_wait3A_73 = arith.constant 320 : i32
    %dma_wait3A_74 = arith.constant 0 : i32
    %dma_wait3A_75 = tpu.memref_slice %arg6[%dma_wait3A_73, %dma_wait3A_74] : memref<400x128xf32, #tpu.memory_space<vmem>> -> memref<80x128xf32, #tpu.memory_space<vmem>>
    %dma_wait3A_76 = arith.constant 320 : i32
    %dma_wait3A_77 = tpu.memref_slice %arg5[%dma_wait3A_76] : memref<1600xi32, #tpu.memory_space<vmem>> -> memref<80xi32, #tpu.memory_space<vmem>>
    %dma_wait3A_78 = arith.constant 0 : i32
    %dma_wait3A_79 = arith.constant 0 : i32
    %dma_wait3A_80 = tpu.memref_slice %arg2[%dma_wait3A_78, %dma_wait3A_79] : memref<1001x128xf32, #tpu.memory_space<hbm>> -> memref<1001x128xf32, #tpu.memory_space<hbm>>
    tpu.wait_indirect_dma semaphore(%arg8 : memref<!tpu.dma_semaphore, #tpu.memory_space<semaphore_mem>>) src(%dma_wait3A_80 : memref<1001x128xf32, #tpu.memory_space<hbm>>) dst(%dma_wait3A_75 : memref<80x128xf32, #tpu.memory_space<vmem>>)
    %add3A_81 = arith.constant 0 : i32
    %add3A_82 = arith.addi %mul3A_2, %add3A_81 : i32
    %dma_start3A_83 = arith.constant 0 : i32
    %dma_start3A_84 = tpu.memref_slice %arg4[%add3A_82, %dma_start3A_83] : memref<51200x128xf32, #tpu.memory_space<hbm>> -> memref<400x128xf32, #tpu.memory_space<hbm>>
    %dma_start3A_85 = arith.constant 0 : i32
    %dma_start3A_86 = tpu.memref_slice %arg4[%add3A_82, %dma_start3A_85] : memref<51200x128xf32, #tpu.memory_space<hbm>> -> memref<400x128xf32, #tpu.memory_space<hbm>>
    tpu.enqueue_dma source(%arg6 : memref<400x128xf32, #tpu.memory_space<vmem>>) target(%dma_start3A_86 : memref<400x128xf32, #tpu.memory_space<hbm>>) target_semaphore(%arg10 : memref<!tpu.dma_semaphore, #tpu.memory_space<semaphore_mem>>)
    %dma_start3A_87 = arith.constant 0 : i32
    %dma_start3A_88 = arith.constant 0 : i32
    %dma_start3A_89 = tpu.memref_slice %arg7[%dma_start3A_87, %dma_start3A_88] : memref<400x128xf32, #tpu.memory_space<vmem>> -> memref<80x128xf32, #tpu.memory_space<vmem>>
    %dma_start3A_90 = arith.constant 400 : i32
    %dma_start3A_91 = tpu.memref_slice %arg5[%dma_start3A_90] : memref<1600xi32, #tpu.memory_space<vmem>> -> memref<80xi32, #tpu.memory_space<vmem>>
    %dma_start3A_92 = arith.constant 0 : i32
    %dma_start3A_93 = arith.constant 0 : i32
    %dma_start3A_94 = tpu.memref_slice %arg2[%dma_start3A_92, %dma_start3A_93] : memref<1001x128xf32, #tpu.memory_space<hbm>> -> memref<1001x128xf32, #tpu.memory_space<hbm>>
    tpu.enqueue_indirect_dma source(%dma_start3A_94 : memref<1001x128xf32, #tpu.memory_space<hbm>>) target(%dma_start3A_89 : memref<80x128xf32, #tpu.memory_space<vmem>>) offsets(%dma_start3A_91 : memref<80xi32, #tpu.memory_space<vmem>>) semaphore(%arg9 : memref<!tpu.dma_semaphore, #tpu.memory_space<semaphore_mem>>)
    %dma_start3A_95 = arith.constant 80 : i32
    %dma_start3A_96 = arith.constant 0 : i32
    %dma_start3A_97 = tpu.memref_slice %arg7[%dma_start3A_95, %dma_start3A_96] : memref<400x128xf32, #tpu.memory_space<vmem>> -> memref<80x128xf32, #tpu.memory_space<vmem>>
    %dma_start3A_98 = arith.constant 480 : i32
    %dma_start3A_99 = tpu.memref_slice %arg5[%dma_start3A_98] : memref<1600xi32, #tpu.memory_space<vmem>> -> memref<80xi32, #tpu.memory_space<vmem>>
    %dma_start3A_100 = arith.constant 0 : i32
    %dma_start3A_101 = arith.constant 0 : i32
    %dma_start3A_102 = tpu.memref_slice %arg2[%dma_start3A_100, %dma_start3A_101] : memref<1001x128xf32, #tpu.memory_space<hbm>> -> memref<1001x128xf32, #tpu.memory_space<hbm>>
    tpu.enqueue_indirect_dma source(%dma_start3A_102 : memref<1001x128xf32, #tpu.memory_space<hbm>>) target(%dma_start3A_97 : memref<80x128xf32, #tpu.memory_space<vmem>>) offsets(%dma_start3A_99 : memref<80xi32, #tpu.memory_space<vmem>>) semaphore(%arg9 : memref<!tpu.dma_semaphore, #tpu.memory_space<semaphore_mem>>)
    %dma_start3A_103 = arith.constant 160 : i32
    %dma_start3A_104 = arith.constant 0 : i32
    %dma_start3A_105 = tpu.memref_slice %arg7[%dma_start3A_103, %dma_start3A_104] : memref<400x128xf32, #tpu.memory_space<vmem>> -> memref<80x128xf32, #tpu.memory_space<vmem>>
    %dma_start3A_106 = arith.constant 560 : i32
    %dma_start3A_107 = tpu.memref_slice %arg5[%dma_start3A_106] : memref<1600xi32, #tpu.memory_space<vmem>> -> memref<80xi32, #tpu.memory_space<vmem>>
    %dma_start3A_108 = arith.constant 0 : i32
    %dma_start3A_109 = arith.constant 0 : i32
    %dma_start3A_110 = tpu.memref_slice %arg2[%dma_start3A_108, %dma_start3A_109] : memref<1001x128xf32, #tpu.memory_space<hbm>> -> memref<1001x128xf32, #tpu.memory_space<hbm>>
    tpu.enqueue_indirect_dma source(%dma_start3A_110 : memref<1001x128xf32, #tpu.memory_space<hbm>>) target(%dma_start3A_105 : memref<80x128xf32, #tpu.memory_space<vmem>>) offsets(%dma_start3A_107 : memref<80xi32, #tpu.memory_space<vmem>>) semaphore(%arg9 : memref<!tpu.dma_semaphore, #tpu.memory_space<semaphore_mem>>)
    %dma_start3A_111 = arith.constant 240 : i32
    %dma_start3A_112 = arith.constant 0 : i32
    %dma_start3A_113 = tpu.memref_slice %arg7[%dma_start3A_111, %dma_start3A_112] : memref<400x128xf32, #tpu.memory_space<vmem>> -> memref<80x128xf32, #tpu.memory_space<vmem>>
    %dma_start3A_114 = arith.constant 640 : i32
    %dma_start3A_115 = tpu.memref_slice %arg5[%dma_start3A_114] : memref<1600xi32, #tpu.memory_space<vmem>> -> memref<80xi32, #tpu.memory_space<vmem>>
    %dma_start3A_116 = arith.constant 0 : i32
    %dma_start3A_117 = arith.constant 0 : i32
    %dma_start3A_118 = tpu.memref_slice %arg2[%dma_start3A_116, %dma_start3A_117] : memref<1001x128xf32, #tpu.memory_space<hbm>> -> memref<1001x128xf32, #tpu.memory_space<hbm>>
    tpu.enqueue_indirect_dma source(%dma_start3A_118 : memref<1001x128xf32, #tpu.memory_space<hbm>>) target(%dma_start3A_113 : memref<80x128xf32, #tpu.memory_space<vmem>>) offsets(%dma_start3A_115 : memref<80xi32, #tpu.memory_space<vmem>>) semaphore(%arg9 : memref<!tpu.dma_semaphore, #tpu.memory_space<semaphore_mem>>)
    %dma_start3A_119 = arith.constant 320 : i32
    %dma_start3A_120 = arith.constant 0 : i32
    %dma_start3A_121 = tpu.memref_slice %arg7[%dma_start3A_119, %dma_start3A_120] : memref<400x128xf32, #tpu.memory_space<vmem>> -> memref<80x128xf32, #tpu.memory_space<vmem>>
    %dma_start3A_122 = arith.constant 720 : i32
    %dma_start3A_123 = tpu.memref_slice %arg5[%dma_start3A_122] : memref<1600xi32, #tpu.memory_space<vmem>> -> memref<80xi32, #tpu.memory_space<vmem>>
    %dma_start3A_124 = arith.constant 0 : i32
    %dma_start3A_125 = arith.constant 0 : i32
    %dma_start3A_126 = tpu.memref_slice %arg2[%dma_start3A_124, %dma_start3A_125] : memref<1001x128xf32, #tpu.memory_space<hbm>> -> memref<1001x128xf32, #tpu.memory_space<hbm>>
    tpu.enqueue_indirect_dma source(%dma_start3A_126 : memref<1001x128xf32, #tpu.memory_space<hbm>>) target(%dma_start3A_121 : memref<80x128xf32, #tpu.memory_space<vmem>>) offsets(%dma_start3A_123 : memref<80xi32, #tpu.memory_space<vmem>>) semaphore(%arg9 : memref<!tpu.dma_semaphore, #tpu.memory_space<semaphore_mem>>)
    %dma_wait3A_127 = arith.constant 0 : i32
    %dma_wait3A_128 = arith.constant 0 : i32
    %dma_wait3A_129 = tpu.memref_slice %arg7[%dma_wait3A_127, %dma_wait3A_128] : memref<400x128xf32, #tpu.memory_space<vmem>> -> memref<80x128xf32, #tpu.memory_space<vmem>>
    %dma_wait3A_130 = arith.constant 400 : i32
    %dma_wait3A_131 = tpu.memref_slice %arg5[%dma_wait3A_130] : memref<1600xi32, #tpu.memory_space<vmem>> -> memref<80xi32, #tpu.memory_space<vmem>>
    %dma_wait3A_132 = arith.constant 0 : i32
    %dma_wait3A_133 = arith.constant 0 : i32
    %dma_wait3A_134 = tpu.memref_slice %arg2[%dma_wait3A_132, %dma_wait3A_133] : memref<1001x128xf32, #tpu.memory_space<hbm>> -> memref<1001x128xf32, #tpu.memory_space<hbm>>
    tpu.wait_indirect_dma semaphore(%arg9 : memref<!tpu.dma_semaphore, #tpu.memory_space<semaphore_mem>>) src(%dma_wait3A_134 : memref<1001x128xf32, #tpu.memory_space<hbm>>) dst(%dma_wait3A_129 : memref<80x128xf32, #tpu.memory_space<vmem>>)
    %dma_wait3A_135 = arith.constant 80 : i32
    %dma_wait3A_136 = arith.constant 0 : i32
    %dma_wait3A_137 = tpu.memref_slice %arg7[%dma_wait3A_135, %dma_wait3A_136] : memref<400x128xf32, #tpu.memory_space<vmem>> -> memref<80x128xf32, #tpu.memory_space<vmem>>
    %dma_wait3A_138 = arith.constant 480 : i32
    %dma_wait3A_139 = tpu.memref_slice %arg5[%dma_wait3A_138] : memref<1600xi32, #tpu.memory_space<vmem>> -> memref<80xi32, #tpu.memory_space<vmem>>
    %dma_wait3A_140 = arith.constant 0 : i32
    %dma_wait3A_141 = arith.constant 0 : i32
    %dma_wait3A_142 = tpu.memref_slice %arg2[%dma_wait3A_140, %dma_wait3A_141] : memref<1001x128xf32, #tpu.memory_space<hbm>> -> memref<1001x128xf32, #tpu.memory_space<hbm>>
    tpu.wait_indirect_dma semaphore(%arg9 : memref<!tpu.dma_semaphore, #tpu.memory_space<semaphore_mem>>) src(%dma_wait3A_142 : memref<1001x128xf32, #tpu.memory_space<hbm>>) dst(%dma_wait3A_137 : memref<80x128xf32, #tpu.memory_space<vmem>>)
    %dma_wait3A_143 = arith.constant 160 : i32
    %dma_wait3A_144 = arith.constant 0 : i32
    %dma_wait3A_145 = tpu.memref_slice %arg7[%dma_wait3A_143, %dma_wait3A_144] : memref<400x128xf32, #tpu.memory_space<vmem>> -> memref<80x128xf32, #tpu.memory_space<vmem>>
    %dma_wait3A_146 = arith.constant 560 : i32
    %dma_wait3A_147 = tpu.memref_slice %arg5[%dma_wait3A_146] : memref<1600xi32, #tpu.memory_space<vmem>> -> memref<80xi32, #tpu.memory_space<vmem>>
    %dma_wait3A_148 = arith.constant 0 : i32
    %dma_wait3A_149 = arith.constant 0 : i32
    %dma_wait3A_150 = tpu.memref_slice %arg2[%dma_wait3A_148, %dma_wait3A_149] : memref<1001x128xf32, #tpu.memory_space<hbm>> -> memref<1001x128xf32, #tpu.memory_space<hbm>>
    tpu.wait_indirect_dma semaphore(%arg9 : memref<!tpu.dma_semaphore, #tpu.memory_space<semaphore_mem>>) src(%dma_wait3A_150 : memref<1001x128xf32, #tpu.memory_space<hbm>>) dst(%dma_wait3A_145 : memref<80x128xf32, #tpu.memory_space<vmem>>)
    %dma_wait3A_151 = arith.constant 240 : i32
    %dma_wait3A_152 = arith.constant 0 : i32
    %dma_wait3A_153 = tpu.memref_slice %arg7[%dma_wait3A_151, %dma_wait3A_152] : memref<400x128xf32, #tpu.memory_space<vmem>> -> memref<80x128xf32, #tpu.memory_space<vmem>>
    %dma_wait3A_154 = arith.constant 640 : i32
    %dma_wait3A_155 = tpu.memref_slice %arg5[%dma_wait3A_154] : memref<1600xi32, #tpu.memory_space<vmem>> -> memref<80xi32, #tpu.memory_space<vmem>>
    %dma_wait3A_156 = arith.constant 0 : i32
    %dma_wait3A_157 = arith.constant 0 : i32
    %dma_wait3A_158 = tpu.memref_slice %arg2[%dma_wait3A_156, %dma_wait3A_157] : memref<1001x128xf32, #tpu.memory_space<hbm>> -> memref<1001x128xf32, #tpu.memory_space<hbm>>
    tpu.wait_indirect_dma semaphore(%arg9 : memref<!tpu.dma_semaphore, #tpu.memory_space<semaphore_mem>>) src(%dma_wait3A_158 : memref<1001x128xf32, #tpu.memory_space<hbm>>) dst(%dma_wait3A_153 : memref<80x128xf32, #tpu.memory_space<vmem>>)
    %dma_wait3A_159 = arith.constant 320 : i32
    %dma_wait3A_160 = arith.constant 0 : i32
    %dma_wait3A_161 = tpu.memref_slice %arg7[%dma_wait3A_159, %dma_wait3A_160] : memref<400x128xf32, #tpu.memory_space<vmem>> -> memref<80x128xf32, #tpu.memory_space<vmem>>
    %dma_wait3A_162 = arith.constant 720 : i32
    %dma_wait3A_163 = tpu.memref_slice %arg5[%dma_wait3A_162] : memref<1600xi32, #tpu.memory_space<vmem>> -> memref<80xi32, #tpu.memory_space<vmem>>
    %dma_wait3A_164 = arith.constant 0 : i32
    %dma_wait3A_165 = arith.constant 0 : i32
    %dma_wait3A_166 = tpu.memref_slice %arg2[%dma_wait3A_164, %dma_wait3A_165] : memref<1001x128xf32, #tpu.memory_space<hbm>> -> memref<1001x128xf32, #tpu.memory_space<hbm>>
    tpu.wait_indirect_dma semaphore(%arg9 : memref<!tpu.dma_semaphore, #tpu.memory_space<semaphore_mem>>) src(%dma_wait3A_166 : memref<1001x128xf32, #tpu.memory_space<hbm>>) dst(%dma_wait3A_161 : memref<80x128xf32, #tpu.memory_space<vmem>>)
    %add3A_167 = arith.constant 400 : i32
    %add3A_168 = arith.addi %mul3A_2, %add3A_167 : i32
    %dma_start3A_169 = arith.constant 0 : i32
    %dma_start3A_170 = tpu.memref_slice %arg4[%add3A_168, %dma_start3A_169] : memref<51200x128xf32, #tpu.memory_space<hbm>> -> memref<400x128xf32, #tpu.memory_space<hbm>>
    %dma_start3A_171 = arith.constant 0 : i32
    %dma_start3A_172 = tpu.memref_slice %arg4[%add3A_168, %dma_start3A_171] : memref<51200x128xf32, #tpu.memory_space<hbm>> -> memref<400x128xf32, #tpu.memory_space<hbm>>
    tpu.enqueue_dma source(%arg7 : memref<400x128xf32, #tpu.memory_space<vmem>>) target(%dma_start3A_172 : memref<400x128xf32, #tpu.memory_space<hbm>>) target_semaphore(%arg11 : memref<!tpu.dma_semaphore, #tpu.memory_space<semaphore_mem>>)
    %dma_wait3A_173 = arith.constant 0 : i32
    %dma_wait3A_174 = tpu.memref_slice %arg4[%add3A_82, %dma_wait3A_173] : memref<51200x128xf32, #tpu.memory_space<hbm>> -> memref<400x128xf32, #tpu.memory_space<hbm>>
    %dma_wait3A_175 = arith.constant 0 : i32
    %dma_wait3A_176 = tpu.memref_slice %arg4[%add3A_82, %dma_wait3A_175] : memref<51200x128xf32, #tpu.memory_space<hbm>> -> memref<400x128xf32, #tpu.memory_space<hbm>>
    tpu.wait_dma2 semaphore(%arg10 : memref<!tpu.dma_semaphore, #tpu.memory_space<semaphore_mem>>) src(%arg6 : memref<400x128xf32, #tpu.memory_space<vmem>>) dst(%dma_wait3A_176 : memref<400x128xf32, #tpu.memory_space<hbm>>)
    %dma_start3A_177 = arith.constant 0 : i32
    %dma_start3A_178 = arith.constant 0 : i32
    %dma_start3A_179 = tpu.memref_slice %arg6[%dma_start3A_177, %dma_start3A_178] : memref<400x128xf32, #tpu.memory_space<vmem>> -> memref<80x128xf32, #tpu.memory_space<vmem>>
    %dma_start3A_180 = arith.constant 800 : i32
    %dma_start3A_181 = tpu.memref_slice %arg5[%dma_start3A_180] : memref<1600xi32, #tpu.memory_space<vmem>> -> memref<80xi32, #tpu.memory_space<vmem>>
    %dma_start3A_182 = arith.constant 0 : i32
    %dma_start3A_183 = arith.constant 0 : i32
    %dma_start3A_184 = tpu.memref_slice %arg2[%dma_start3A_182, %dma_start3A_183] : memref<1001x128xf32, #tpu.memory_space<hbm>> -> memref<1001x128xf32, #tpu.memory_space<hbm>>
    tpu.enqueue_indirect_dma source(%dma_start3A_184 : memref<1001x128xf32, #tpu.memory_space<hbm>>) target(%dma_start3A_179 : memref<80x128xf32, #tpu.memory_space<vmem>>) offsets(%dma_start3A_181 : memref<80xi32, #tpu.memory_space<vmem>>) semaphore(%arg8 : memref<!tpu.dma_semaphore, #tpu.memory_space<semaphore_mem>>)
    %dma_start3A_185 = arith.constant 80 : i32
    %dma_start3A_186 = arith.constant 0 : i32
    %dma_start3A_187 = tpu.memref_slice %arg6[%dma_start3A_185, %dma_start3A_186] : memref<400x128xf32, #tpu.memory_space<vmem>> -> memref<80x128xf32, #tpu.memory_space<vmem>>
    %dma_start3A_188 = arith.constant 880 : i32
    %dma_start3A_189 = tpu.memref_slice %arg5[%dma_start3A_188] : memref<1600xi32, #tpu.memory_space<vmem>> -> memref<80xi32, #tpu.memory_space<vmem>>
    %dma_start3A_190 = arith.constant 0 : i32
    %dma_start3A_191 = arith.constant 0 : i32
    %dma_start3A_192 = tpu.memref_slice %arg2[%dma_start3A_190, %dma_start3A_191] : memref<1001x128xf32, #tpu.memory_space<hbm>> -> memref<1001x128xf32, #tpu.memory_space<hbm>>
    tpu.enqueue_indirect_dma source(%dma_start3A_192 : memref<1001x128xf32, #tpu.memory_space<hbm>>) target(%dma_start3A_187 : memref<80x128xf32, #tpu.memory_space<vmem>>) offsets(%dma_start3A_189 : memref<80xi32, #tpu.memory_space<vmem>>) semaphore(%arg8 : memref<!tpu.dma_semaphore, #tpu.memory_space<semaphore_mem>>)
    %dma_start3A_193 = arith.constant 160 : i32
    %dma_start3A_194 = arith.constant 0 : i32
    %dma_start3A_195 = tpu.memref_slice %arg6[%dma_start3A_193, %dma_start3A_194] : memref<400x128xf32, #tpu.memory_space<vmem>> -> memref<80x128xf32, #tpu.memory_space<vmem>>
    %dma_start3A_196 = arith.constant 960 : i32
    %dma_start3A_197 = tpu.memref_slice %arg5[%dma_start3A_196] : memref<1600xi32, #tpu.memory_space<vmem>> -> memref<80xi32, #tpu.memory_space<vmem>>
    %dma_start3A_198 = arith.constant 0 : i32
    %dma_start3A_199 = arith.constant 0 : i32
    %dma_start3A_200 = tpu.memref_slice %arg2[%dma_start3A_198, %dma_start3A_199] : memref<1001x128xf32, #tpu.memory_space<hbm>> -> memref<1001x128xf32, #tpu.memory_space<hbm>>
    tpu.enqueue_indirect_dma source(%dma_start3A_200 : memref<1001x128xf32, #tpu.memory_space<hbm>>) target(%dma_start3A_195 : memref<80x128xf32, #tpu.memory_space<vmem>>) offsets(%dma_start3A_197 : memref<80xi32, #tpu.memory_space<vmem>>) semaphore(%arg8 : memref<!tpu.dma_semaphore, #tpu.memory_space<semaphore_mem>>)
    %dma_start3A_201 = arith.constant 240 : i32
    %dma_start3A_202 = arith.constant 0 : i32
    %dma_start3A_203 = tpu.memref_slice %arg6[%dma_start3A_201, %dma_start3A_202] : memref<400x128xf32, #tpu.memory_space<vmem>> -> memref<80x128xf32, #tpu.memory_space<vmem>>
    %dma_start3A_204 = arith.constant 1040 : i32
    %dma_start3A_205 = tpu.memref_slice %arg5[%dma_start3A_204] : memref<1600xi32, #tpu.memory_space<vmem>> -> memref<80xi32, #tpu.memory_space<vmem>>
    %dma_start3A_206 = arith.constant 0 : i32
    %dma_start3A_207 = arith.constant 0 : i32
    %dma_start3A_208 = tpu.memref_slice %arg2[%dma_start3A_206, %dma_start3A_207] : memref<1001x128xf32, #tpu.memory_space<hbm>> -> memref<1001x128xf32, #tpu.memory_space<hbm>>
    tpu.enqueue_indirect_dma source(%dma_start3A_208 : memref<1001x128xf32, #tpu.memory_space<hbm>>) target(%dma_start3A_203 : memref<80x128xf32, #tpu.memory_space<vmem>>) offsets(%dma_start3A_205 : memref<80xi32, #tpu.memory_space<vmem>>) semaphore(%arg8 : memref<!tpu.dma_semaphore, #tpu.memory_space<semaphore_mem>>)
    %dma_start3A_209 = arith.constant 320 : i32
    %dma_start3A_210 = arith.constant 0 : i32
    %dma_start3A_211 = tpu.memref_slice %arg6[%dma_start3A_209, %dma_start3A_210] : memref<400x128xf32, #tpu.memory_space<vmem>> -> memref<80x128xf32, #tpu.memory_space<vmem>>
    %dma_start3A_212 = arith.constant 1120 : i32
    %dma_start3A_213 = tpu.memref_slice %arg5[%dma_start3A_212] : memref<1600xi32, #tpu.memory_space<vmem>> -> memref<80xi32, #tpu.memory_space<vmem>>
    %dma_start3A_214 = arith.constant 0 : i32
    %dma_start3A_215 = arith.constant 0 : i32
    %dma_start3A_216 = tpu.memref_slice %arg2[%dma_start3A_214, %dma_start3A_215] : memref<1001x128xf32, #tpu.memory_space<hbm>> -> memref<1001x128xf32, #tpu.memory_space<hbm>>
    tpu.enqueue_indirect_dma source(%dma_start3A_216 : memref<1001x128xf32, #tpu.memory_space<hbm>>) target(%dma_start3A_211 : memref<80x128xf32, #tpu.memory_space<vmem>>) offsets(%dma_start3A_213 : memref<80xi32, #tpu.memory_space<vmem>>) semaphore(%arg8 : memref<!tpu.dma_semaphore, #tpu.memory_space<semaphore_mem>>)
    %dma_wait3A_217 = arith.constant 0 : i32
    %dma_wait3A_218 = arith.constant 0 : i32
    %dma_wait3A_219 = tpu.memref_slice %arg6[%dma_wait3A_217, %dma_wait3A_218] : memref<400x128xf32, #tpu.memory_space<vmem>> -> memref<80x128xf32, #tpu.memory_space<vmem>>
    %dma_wait3A_220 = arith.constant 800 : i32
    %dma_wait3A_221 = tpu.memref_slice %arg5[%dma_wait3A_220] : memref<1600xi32, #tpu.memory_space<vmem>> -> memref<80xi32, #tpu.memory_space<vmem>>
    %dma_wait3A_222 = arith.constant 0 : i32
    %dma_wait3A_223 = arith.constant 0 : i32
    %dma_wait3A_224 = tpu.memref_slice %arg2[%dma_wait3A_222, %dma_wait3A_223] : memref<1001x128xf32, #tpu.memory_space<hbm>> -> memref<1001x128xf32, #tpu.memory_space<hbm>>
    tpu.wait_indirect_dma semaphore(%arg8 : memref<!tpu.dma_semaphore, #tpu.memory_space<semaphore_mem>>) src(%dma_wait3A_224 : memref<1001x128xf32, #tpu.memory_space<hbm>>) dst(%dma_wait3A_219 : memref<80x128xf32, #tpu.memory_space<vmem>>)
    %dma_wait3A_225 = arith.constant 80 : i32
    %dma_wait3A_226 = arith.constant 0 : i32
    %dma_wait3A_227 = tpu.memref_slice %arg6[%dma_wait3A_225, %dma_wait3A_226] : memref<400x128xf32, #tpu.memory_space<vmem>> -> memref<80x128xf32, #tpu.memory_space<vmem>>
    %dma_wait3A_228 = arith.constant 880 : i32
    %dma_wait3A_229 = tpu.memref_slice %arg5[%dma_wait3A_228] : memref<1600xi32, #tpu.memory_space<vmem>> -> memref<80xi32, #tpu.memory_space<vmem>>
    %dma_wait3A_230 = arith.constant 0 : i32
    %dma_wait3A_231 = arith.constant 0 : i32
    %dma_wait3A_232 = tpu.memref_slice %arg2[%dma_wait3A_230, %dma_wait3A_231] : memref<1001x128xf32, #tpu.memory_space<hbm>> -> memref<1001x128xf32, #tpu.memory_space<hbm>>
    tpu.wait_indirect_dma semaphore(%arg8 : memref<!tpu.dma_semaphore, #tpu.memory_space<semaphore_mem>>) src(%dma_wait3A_232 : memref<1001x128xf32, #tpu.memory_space<hbm>>) dst(%dma_wait3A_227 : memref<80x128xf32, #tpu.memory_space<vmem>>)
    %dma_wait3A_233 = arith.constant 160 : i32
    %dma_wait3A_234 = arith.constant 0 : i32
    %dma_wait3A_235 = tpu.memref_slice %arg6[%dma_wait3A_233, %dma_wait3A_234] : memref<400x128xf32, #tpu.memory_space<vmem>> -> memref<80x128xf32, #tpu.memory_space<vmem>>
    %dma_wait3A_236 = arith.constant 960 : i32
    %dma_wait3A_237 = tpu.memref_slice %arg5[%dma_wait3A_236] : memref<1600xi32, #tpu.memory_space<vmem>> -> memref<80xi32, #tpu.memory_space<vmem>>
    %dma_wait3A_238 = arith.constant 0 : i32
    %dma_wait3A_239 = arith.constant 0 : i32
    %dma_wait3A_240 = tpu.memref_slice %arg2[%dma_wait3A_238, %dma_wait3A_239] : memref<1001x128xf32, #tpu.memory_space<hbm>> -> memref<1001x128xf32, #tpu.memory_space<hbm>>
    tpu.wait_indirect_dma semaphore(%arg8 : memref<!tpu.dma_semaphore, #tpu.memory_space<semaphore_mem>>) src(%dma_wait3A_240 : memref<1001x128xf32, #tpu.memory_space<hbm>>) dst(%dma_wait3A_235 : memref<80x128xf32, #tpu.memory_space<vmem>>)
    %dma_wait3A_241 = arith.constant 240 : i32
    %dma_wait3A_242 = arith.constant 0 : i32
    %dma_wait3A_243 = tpu.memref_slice %arg6[%dma_wait3A_241, %dma_wait3A_242] : memref<400x128xf32, #tpu.memory_space<vmem>> -> memref<80x128xf32, #tpu.memory_space<vmem>>
    %dma_wait3A_244 = arith.constant 1040 : i32
    %dma_wait3A_245 = tpu.memref_slice %arg5[%dma_wait3A_244] : memref<1600xi32, #tpu.memory_space<vmem>> -> memref<80xi32, #tpu.memory_space<vmem>>
    %dma_wait3A_246 = arith.constant 0 : i32
    %dma_wait3A_247 = arith.constant 0 : i32
    %dma_wait3A_248 = tpu.memref_slice %arg2[%dma_wait3A_246, %dma_wait3A_247] : memref<1001x128xf32, #tpu.memory_space<hbm>> -> memref<1001x128xf32, #tpu.memory_space<hbm>>
    tpu.wait_indirect_dma semaphore(%arg8 : memref<!tpu.dma_semaphore, #tpu.memory_space<semaphore_mem>>) src(%dma_wait3A_248 : memref<1001x128xf32, #tpu.memory_space<hbm>>) dst(%dma_wait3A_243 : memref<80x128xf32, #tpu.memory_space<vmem>>)
    %dma_wait3A_249 = arith.constant 320 : i32
    %dma_wait3A_250 = arith.constant 0 : i32
    %dma_wait3A_251 = tpu.memref_slice %arg6[%dma_wait3A_249, %dma_wait3A_250] : memref<400x128xf32, #tpu.memory_space<vmem>> -> memref<80x128xf32, #tpu.memory_space<vmem>>
    %dma_wait3A_252 = arith.constant 1120 : i32
    %dma_wait3A_253 = tpu.memref_slice %arg5[%dma_wait3A_252] : memref<1600xi32, #tpu.memory_space<vmem>> -> memref<80xi32, #tpu.memory_space<vmem>>
    %dma_wait3A_254 = arith.constant 0 : i32
    %dma_wait3A_255 = arith.constant 0 : i32
    %dma_wait3A_256 = tpu.memref_slice %arg2[%dma_wait3A_254, %dma_wait3A_255] : memref<1001x128xf32, #tpu.memory_space<hbm>> -> memref<1001x128xf32, #tpu.memory_space<hbm>>
    tpu.wait_indirect_dma semaphore(%arg8 : memref<!tpu.dma_semaphore, #tpu.memory_space<semaphore_mem>>) src(%dma_wait3A_256 : memref<1001x128xf32, #tpu.memory_space<hbm>>) dst(%dma_wait3A_251 : memref<80x128xf32, #tpu.memory_space<vmem>>)
    %add3A_257 = arith.constant 800 : i32
    %add3A_258 = arith.addi %mul3A_2, %add3A_257 : i32
    %dma_start3A_259 = arith.constant 0 : i32
    %dma_start3A_260 = tpu.memref_slice %arg4[%add3A_258, %dma_start3A_259] : memref<51200x128xf32, #tpu.memory_space<hbm>> -> memref<400x128xf32, #tpu.memory_space<hbm>>
    %dma_start3A_261 = arith.constant 0 : i32
    %dma_start3A_262 = tpu.memref_slice %arg4[%add3A_258, %dma_start3A_261] : memref<51200x128xf32, #tpu.memory_space<hbm>> -> memref<400x128xf32, #tpu.memory_space<hbm>>
    tpu.enqueue_dma source(%arg6 : memref<400x128xf32, #tpu.memory_space<vmem>>) target(%dma_start3A_262 : memref<400x128xf32, #tpu.memory_space<hbm>>) target_semaphore(%arg10 : memref<!tpu.dma_semaphore, #tpu.memory_space<semaphore_mem>>)
    %dma_wait3A_263 = arith.constant 0 : i32
    %dma_wait3A_264 = tpu.memref_slice %arg4[%add3A_168, %dma_wait3A_263] : memref<51200x128xf32, #tpu.memory_space<hbm>> -> memref<400x128xf32, #tpu.memory_space<hbm>>
    %dma_wait3A_265 = arith.constant 0 : i32
    %dma_wait3A_266 = tpu.memref_slice %arg4[%add3A_168, %dma_wait3A_265] : memref<51200x128xf32, #tpu.memory_space<hbm>> -> memref<400x128xf32, #tpu.memory_space<hbm>>
    tpu.wait_dma2 semaphore(%arg11 : memref<!tpu.dma_semaphore, #tpu.memory_space<semaphore_mem>>) src(%arg7 : memref<400x128xf32, #tpu.memory_space<vmem>>) dst(%dma_wait3A_266 : memref<400x128xf32, #tpu.memory_space<hbm>>)
    %dma_start3A_267 = arith.constant 0 : i32
    %dma_start3A_268 = arith.constant 0 : i32
    %dma_start3A_269 = tpu.memref_slice %arg7[%dma_start3A_267, %dma_start3A_268] : memref<400x128xf32, #tpu.memory_space<vmem>> -> memref<80x128xf32, #tpu.memory_space<vmem>>
    %dma_start3A_270 = arith.constant 1200 : i32
    %dma_start3A_271 = tpu.memref_slice %arg5[%dma_start3A_270] : memref<1600xi32, #tpu.memory_space<vmem>> -> memref<80xi32, #tpu.memory_space<vmem>>
    %dma_start3A_272 = arith.constant 0 : i32
    %dma_start3A_273 = arith.constant 0 : i32
    %dma_start3A_274 = tpu.memref_slice %arg2[%dma_start3A_272, %dma_start3A_273] : memref<1001x128xf32, #tpu.memory_space<hbm>> -> memref<1001x128xf32, #tpu.memory_space<hbm>>
    tpu.enqueue_indirect_dma source(%dma_start3A_274 : memref<1001x128xf32, #tpu.memory_space<hbm>>) target(%dma_start3A_269 : memref<80x128xf32, #tpu.memory_space<vmem>>) offsets(%dma_start3A_271 : memref<80xi32, #tpu.memory_space<vmem>>) semaphore(%arg9 : memref<!tpu.dma_semaphore, #tpu.memory_space<semaphore_mem>>)
    %dma_start3A_275 = arith.constant 80 : i32
    %dma_start3A_276 = arith.constant 0 : i32
    %dma_start3A_277 = tpu.memref_slice %arg7[%dma_start3A_275, %dma_start3A_276] : memref<400x128xf32, #tpu.memory_space<vmem>> -> memref<80x128xf32, #tpu.memory_space<vmem>>
    %dma_start3A_278 = arith.constant 1280 : i32
    %dma_start3A_279 = tpu.memref_slice %arg5[%dma_start3A_278] : memref<1600xi32, #tpu.memory_space<vmem>> -> memref<80xi32, #tpu.memory_space<vmem>>
    %dma_start3A_280 = arith.constant 0 : i32
    %dma_start3A_281 = arith.constant 0 : i32
    %dma_start3A_282 = tpu.memref_slice %arg2[%dma_start3A_280, %dma_start3A_281] : memref<1001x128xf32, #tpu.memory_space<hbm>> -> memref<1001x128xf32, #tpu.memory_space<hbm>>
    tpu.enqueue_indirect_dma source(%dma_start3A_282 : memref<1001x128xf32, #tpu.memory_space<hbm>>) target(%dma_start3A_277 : memref<80x128xf32, #tpu.memory_space<vmem>>) offsets(%dma_start3A_279 : memref<80xi32, #tpu.memory_space<vmem>>) semaphore(%arg9 : memref<!tpu.dma_semaphore, #tpu.memory_space<semaphore_mem>>)
    %dma_start3A_283 = arith.constant 160 : i32
    %dma_start3A_284 = arith.constant 0 : i32
    %dma_start3A_285 = tpu.memref_slice %arg7[%dma_start3A_283, %dma_start3A_284] : memref<400x128xf32, #tpu.memory_space<vmem>> -> memref<80x128xf32, #tpu.memory_space<vmem>>
    %dma_start3A_286 = arith.constant 1360 : i32
    %dma_start3A_287 = tpu.memref_slice %arg5[%dma_start3A_286] : memref<1600xi32, #tpu.memory_space<vmem>> -> memref<80xi32, #tpu.memory_space<vmem>>
    %dma_start3A_288 = arith.constant 0 : i32
    %dma_start3A_289 = arith.constant 0 : i32
    %dma_start3A_290 = tpu.memref_slice %arg2[%dma_start3A_288, %dma_start3A_289] : memref<1001x128xf32, #tpu.memory_space<hbm>> -> memref<1001x128xf32, #tpu.memory_space<hbm>>
    tpu.enqueue_indirect_dma source(%dma_start3A_290 : memref<1001x128xf32, #tpu.memory_space<hbm>>) target(%dma_start3A_285 : memref<80x128xf32, #tpu.memory_space<vmem>>) offsets(%dma_start3A_287 : memref<80xi32, #tpu.memory_space<vmem>>) semaphore(%arg9 : memref<!tpu.dma_semaphore, #tpu.memory_space<semaphore_mem>>)
    %dma_start3A_291 = arith.constant 240 : i32
    %dma_start3A_292 = arith.constant 0 : i32
    %dma_start3A_293 = tpu.memref_slice %arg7[%dma_start3A_291, %dma_start3A_292] : memref<400x128xf32, #tpu.memory_space<vmem>> -> memref<80x128xf32, #tpu.memory_space<vmem>>
    %dma_start3A_294 = arith.constant 1440 : i32
    %dma_start3A_295 = tpu.memref_slice %arg5[%dma_start3A_294] : memref<1600xi32, #tpu.memory_space<vmem>> -> memref<80xi32, #tpu.memory_space<vmem>>
    %dma_start3A_296 = arith.constant 0 : i32
    %dma_start3A_297 = arith.constant 0 : i32
    %dma_start3A_298 = tpu.memref_slice %arg2[%dma_start3A_296, %dma_start3A_297] : memref<1001x128xf32, #tpu.memory_space<hbm>> -> memref<1001x128xf32, #tpu.memory_space<hbm>>
    tpu.enqueue_indirect_dma source(%dma_start3A_298 : memref<1001x128xf32, #tpu.memory_space<hbm>>) target(%dma_start3A_293 : memref<80x128xf32, #tpu.memory_space<vmem>>) offsets(%dma_start3A_295 : memref<80xi32, #tpu.memory_space<vmem>>) semaphore(%arg9 : memref<!tpu.dma_semaphore, #tpu.memory_space<semaphore_mem>>)
    %dma_start3A_299 = arith.constant 320 : i32
    %dma_start3A_300 = arith.constant 0 : i32
    %dma_start3A_301 = tpu.memref_slice %arg7[%dma_start3A_299, %dma_start3A_300] : memref<400x128xf32, #tpu.memory_space<vmem>> -> memref<80x128xf32, #tpu.memory_space<vmem>>
    %dma_start3A_302 = arith.constant 1520 : i32
    %dma_start3A_303 = tpu.memref_slice %arg5[%dma_start3A_302] : memref<1600xi32, #tpu.memory_space<vmem>> -> memref<80xi32, #tpu.memory_space<vmem>>
    %dma_start3A_304 = arith.constant 0 : i32
    %dma_start3A_305 = arith.constant 0 : i32
    %dma_start3A_306 = tpu.memref_slice %arg2[%dma_start3A_304, %dma_start3A_305] : memref<1001x128xf32, #tpu.memory_space<hbm>> -> memref<1001x128xf32, #tpu.memory_space<hbm>>
    tpu.enqueue_indirect_dma source(%dma_start3A_306 : memref<1001x128xf32, #tpu.memory_space<hbm>>) target(%dma_start3A_301 : memref<80x128xf32, #tpu.memory_space<vmem>>) offsets(%dma_start3A_303 : memref<80xi32, #tpu.memory_space<vmem>>) semaphore(%arg9 : memref<!tpu.dma_semaphore, #tpu.memory_space<semaphore_mem>>)
    %dma_wait3A_307 = arith.constant 0 : i32
    %dma_wait3A_308 = arith.constant 0 : i32
    %dma_wait3A_309 = tpu.memref_slice %arg7[%dma_wait3A_307, %dma_wait3A_308] : memref<400x128xf32, #tpu.memory_space<vmem>> -> memref<80x128xf32, #tpu.memory_space<vmem>>
    %dma_wait3A_310 = arith.constant 1200 : i32
    %dma_wait3A_311 = tpu.memref_slice %arg5[%dma_wait3A_310] : memref<1600xi32, #tpu.memory_space<vmem>> -> memref<80xi32, #tpu.memory_space<vmem>>
    %dma_wait3A_312 = arith.constant 0 : i32
    %dma_wait3A_313 = arith.constant 0 : i32
    %dma_wait3A_314 = tpu.memref_slice %arg2[%dma_wait3A_312, %dma_wait3A_313] : memref<1001x128xf32, #tpu.memory_space<hbm>> -> memref<1001x128xf32, #tpu.memory_space<hbm>>
    tpu.wait_indirect_dma semaphore(%arg9 : memref<!tpu.dma_semaphore, #tpu.memory_space<semaphore_mem>>) src(%dma_wait3A_314 : memref<1001x128xf32, #tpu.memory_space<hbm>>) dst(%dma_wait3A_309 : memref<80x128xf32, #tpu.memory_space<vmem>>)
    %dma_wait3A_315 = arith.constant 80 : i32
    %dma_wait3A_316 = arith.constant 0 : i32
    %dma_wait3A_317 = tpu.memref_slice %arg7[%dma_wait3A_315, %dma_wait3A_316] : memref<400x128xf32, #tpu.memory_space<vmem>> -> memref<80x128xf32, #tpu.memory_space<vmem>>
    %dma_wait3A_318 = arith.constant 1280 : i32
    %dma_wait3A_319 = tpu.memref_slice %arg5[%dma_wait3A_318] : memref<1600xi32, #tpu.memory_space<vmem>> -> memref<80xi32, #tpu.memory_space<vmem>>
    %dma_wait3A_320 = arith.constant 0 : i32
    %dma_wait3A_321 = arith.constant 0 : i32
    %dma_wait3A_322 = tpu.memref_slice %arg2[%dma_wait3A_320, %dma_wait3A_321] : memref<1001x128xf32, #tpu.memory_space<hbm>> -> memref<1001x128xf32, #tpu.memory_space<hbm>>
    tpu.wait_indirect_dma semaphore(%arg9 : memref<!tpu.dma_semaphore, #tpu.memory_space<semaphore_mem>>) src(%dma_wait3A_322 : memref<1001x128xf32, #tpu.memory_space<hbm>>) dst(%dma_wait3A_317 : memref<80x128xf32, #tpu.memory_space<vmem>>)
    %dma_wait3A_323 = arith.constant 160 : i32
    %dma_wait3A_324 = arith.constant 0 : i32
    %dma_wait3A_325 = tpu.memref_slice %arg7[%dma_wait3A_323, %dma_wait3A_324] : memref<400x128xf32, #tpu.memory_space<vmem>> -> memref<80x128xf32, #tpu.memory_space<vmem>>
    %dma_wait3A_326 = arith.constant 1360 : i32
    %dma_wait3A_327 = tpu.memref_slice %arg5[%dma_wait3A_326] : memref<1600xi32, #tpu.memory_space<vmem>> -> memref<80xi32, #tpu.memory_space<vmem>>
    %dma_wait3A_328 = arith.constant 0 : i32
    %dma_wait3A_329 = arith.constant 0 : i32
    %dma_wait3A_330 = tpu.memref_slice %arg2[%dma_wait3A_328, %dma_wait3A_329] : memref<1001x128xf32, #tpu.memory_space<hbm>> -> memref<1001x128xf32, #tpu.memory_space<hbm>>
    tpu.wait_indirect_dma semaphore(%arg9 : memref<!tpu.dma_semaphore, #tpu.memory_space<semaphore_mem>>) src(%dma_wait3A_330 : memref<1001x128xf32, #tpu.memory_space<hbm>>) dst(%dma_wait3A_325 : memref<80x128xf32, #tpu.memory_space<vmem>>)
    %dma_wait3A_331 = arith.constant 240 : i32
    %dma_wait3A_332 = arith.constant 0 : i32
    %dma_wait3A_333 = tpu.memref_slice %arg7[%dma_wait3A_331, %dma_wait3A_332] : memref<400x128xf32, #tpu.memory_space<vmem>> -> memref<80x128xf32, #tpu.memory_space<vmem>>
    %dma_wait3A_334 = arith.constant 1440 : i32
    %dma_wait3A_335 = tpu.memref_slice %arg5[%dma_wait3A_334] : memref<1600xi32, #tpu.memory_space<vmem>> -> memref<80xi32, #tpu.memory_space<vmem>>
    %dma_wait3A_336 = arith.constant 0 : i32
    %dma_wait3A_337 = arith.constant 0 : i32
    %dma_wait3A_338 = tpu.memref_slice %arg2[%dma_wait3A_336, %dma_wait3A_337] : memref<1001x128xf32, #tpu.memory_space<hbm>> -> memref<1001x128xf32, #tpu.memory_space<hbm>>
    tpu.wait_indirect_dma semaphore(%arg9 : memref<!tpu.dma_semaphore, #tpu.memory_space<semaphore_mem>>) src(%dma_wait3A_338 : memref<1001x128xf32, #tpu.memory_space<hbm>>) dst(%dma_wait3A_333 : memref<80x128xf32, #tpu.memory_space<vmem>>)
    %dma_wait3A_339 = arith.constant 320 : i32
    %dma_wait3A_340 = arith.constant 0 : i32
    %dma_wait3A_341 = tpu.memref_slice %arg7[%dma_wait3A_339, %dma_wait3A_340] : memref<400x128xf32, #tpu.memory_space<vmem>> -> memref<80x128xf32, #tpu.memory_space<vmem>>
    %dma_wait3A_342 = arith.constant 1520 : i32
    %dma_wait3A_343 = tpu.memref_slice %arg5[%dma_wait3A_342] : memref<1600xi32, #tpu.memory_space<vmem>> -> memref<80xi32, #tpu.memory_space<vmem>>
    %dma_wait3A_344 = arith.constant 0 : i32
    %dma_wait3A_345 = arith.constant 0 : i32
    %dma_wait3A_346 = tpu.memref_slice %arg2[%dma_wait3A_344, %dma_wait3A_345] : memref<1001x128xf32, #tpu.memory_space<hbm>> -> memref<1001x128xf32, #tpu.memory_space<hbm>>
    tpu.wait_indirect_dma semaphore(%arg9 : memref<!tpu.dma_semaphore, #tpu.memory_space<semaphore_mem>>) src(%dma_wait3A_346 : memref<1001x128xf32, #tpu.memory_space<hbm>>) dst(%dma_wait3A_341 : memref<80x128xf32, #tpu.memory_space<vmem>>)
    %add3A_347 = arith.constant 1200 : i32
    %add3A_348 = arith.addi %mul3A_2, %add3A_347 : i32
    %dma_start3A_349 = arith.constant 0 : i32
    %dma_start3A_350 = tpu.memref_slice %arg4[%add3A_348, %dma_start3A_349] : memref<51200x128xf32, #tpu.memory_space<hbm>> -> memref<400x128xf32, #tpu.memory_space<hbm>>
    %dma_start3A_351 = arith.constant 0 : i32
    %dma_start3A_352 = tpu.memref_slice %arg4[%add3A_348, %dma_start3A_351] : memref<51200x128xf32, #tpu.memory_space<hbm>> -> memref<400x128xf32, #tpu.memory_space<hbm>>
    tpu.enqueue_dma source(%arg7 : memref<400x128xf32, #tpu.memory_space<vmem>>) target(%dma_start3A_352 : memref<400x128xf32, #tpu.memory_space<hbm>>) target_semaphore(%arg11 : memref<!tpu.dma_semaphore, #tpu.memory_space<semaphore_mem>>)
    %dma_wait3A_353 = arith.constant 0 : i32
    %dma_wait3A_354 = tpu.memref_slice %arg4[%add3A_258, %dma_wait3A_353] : memref<51200x128xf32, #tpu.memory_space<hbm>> -> memref<400x128xf32, #tpu.memory_space<hbm>>
    %dma_wait3A_355 = arith.constant 0 : i32
    %dma_wait3A_356 = tpu.memref_slice %arg4[%add3A_258, %dma_wait3A_355] : memref<51200x128xf32, #tpu.memory_space<hbm>> -> memref<400x128xf32, #tpu.memory_space<hbm>>
    tpu.wait_dma2 semaphore(%arg10 : memref<!tpu.dma_semaphore, #tpu.memory_space<semaphore_mem>>) src(%arg6 : memref<400x128xf32, #tpu.memory_space<vmem>>) dst(%dma_wait3A_356 : memref<400x128xf32, #tpu.memory_space<hbm>>)
    %dma_wait3A_357 = arith.constant 0 : i32
    %dma_wait3A_358 = tpu.memref_slice %arg4[%add3A_348, %dma_wait3A_357] : memref<51200x128xf32, #tpu.memory_space<hbm>> -> memref<400x128xf32, #tpu.memory_space<hbm>>
    %dma_wait3A_359 = arith.constant 0 : i32
    %dma_wait3A_360 = tpu.memref_slice %arg4[%add3A_348, %dma_wait3A_359] : memref<51200x128xf32, #tpu.memory_space<hbm>> -> memref<400x128xf32, #tpu.memory_space<hbm>>
    tpu.wait_dma2 semaphore(%arg11 : memref<!tpu.dma_semaphore, #tpu.memory_space<semaphore_mem>>) src(%arg7 : memref<400x128xf32, #tpu.memory_space<vmem>>) dst(%dma_wait3A_360 : memref<400x128xf32, #tpu.memory_space<hbm>>)
    return
  }
}

module attributes {stable_mosaic.version = 14 : i64} {
  func.func @_proj_body(%arg0: i32, %arg1: i32, %arg2: memref<256x512xf32, #tpu.memory_space<vmem>>, %arg3: memref<40x512xf32, #tpu.memory_space<vmem>>, %arg4: memref<1x40xf32, #tpu.memory_space<vmem>>, %arg5: memref<256x40xf32, #tpu.memory_space<vmem>>) attributes {dimension_semantics = [#tpu.dimension_semantics<arbitrary>, #tpu.dimension_semantics<arbitrary>], iteration_bounds = array<i64: 1, 4>, scalar_prefetch = 0 : i64, scratch_operands = 0 : i64, tpu.core_type = #tpu.core_type<tc>, window_params = [{transform_indices = @transform_0, window_bounds = array<i64: 256, 512>}, {transform_indices = @transform_1, window_bounds = array<i64: 40, 512>}, {transform_indices = @transform_2, window_bounds = array<i64: 1, 40>}, {transform_indices = @transform_3, window_bounds = array<i64: 256, 40>}]} {
    %get3A = arith.constant 0 : index
    %get3A_0 = arith.constant 0 : index
    %get3A_1 = vector.load %arg2[%get3A, %get3A_0] : memref<256x512xf32, #tpu.memory_space<vmem>>, vector<256x512xf32>
    %convert_element_type3A = arith.truncf %get3A_1 : vector<256x512xf32> to vector<256x512xbf16>
    %get3A_2 = arith.constant 0 : index
    %get3A_3 = arith.constant 0 : index
    %get3A_4 = vector.load %arg3[%get3A_2, %get3A_3] : memref<40x512xf32, #tpu.memory_space<vmem>>, vector<40x512xf32>
    %convert_element_type3A_5 = arith.truncf %get3A_4 : vector<40x512xf32> to vector<40x512xbf16>
    %dot_general3A = arith.constant dense<0.000000e+00> : vector<256x40xf32>
    %dot_general3A_6 = tpu.matmul %convert_element_type3A, %convert_element_type3A_5, %dot_general3A {dimension_numbers = #tpu.dot_dimension_numbers<[1], [1], [0], [0], [0, 0, 1, 0], [], []>, transpose_lhs_hint = false} : vector<256x512xbf16>, vector<40x512xbf16>, vector<256x40xf32> -> vector<256x40xf32>
    %get3A_7 = arith.constant 0 : index
    %get3A_8 = arith.constant 0 : index
    %get3A_9 = vector.load %arg4[%get3A_7, %get3A_8] : memref<1x40xf32, #tpu.memory_space<vmem>>, vector<1x40xf32>
    %add3A = vector.broadcast %get3A_9 : vector<1x40xf32> to vector<256x40xf32>
    %add3A_10 = arith.addf %dot_general3A_6, %add3A : vector<256x40xf32>
    %swap3A = arith.constant 0 : index
    %swap3A_11 = arith.constant 0 : index
    %swap3A_12 = vector.load %arg5[%swap3A, %swap3A_11] : memref<256x40xf32, #tpu.memory_space<vmem>>, vector<256x40xf32>
    tpu.vector_store %arg5[%swap3A, %swap3A_11], %add3A_10 {strides = array<i32>} : memref<256x40xf32, #tpu.memory_space<vmem>>, vector<256x40xf32>,
    return
  }
  func.func @transform_0(%arg0: i32, %arg1: i32) -> (i32, i32) {
    %c0_i32 = arith.constant 0 : i32
    %c0_i32_0 = arith.constant 0 : i32
    return %arg1, %c0_i32 : i32, i32
  }
  func.func @transform_1(%arg0: i32, %arg1: i32) -> (i32, i32) {
    %c0_i32 = arith.constant 0 : i32
    %c0_i32_0 = arith.constant 0 : i32
    return %arg0, %c0_i32 : i32, i32
  }
  func.func @transform_2(%arg0: i32, %arg1: i32) -> (i32, i32) {
    %c0_i32 = arith.constant 0 : i32
    %c0_i32_0 = arith.constant 0 : i32
    return %c0_i32, %arg0 : i32, i32
  }
  func.func @transform_3(%arg0: i32, %arg1: i32) -> (i32, i32) {
    %c0_i32 = arith.constant 0 : i32
    return %arg1, %arg0 : i32, i32
  }
}

module attributes {stable_mosaic.version = 14 : i64} {
  func.func @_lstm_body(%arg0: i32, %arg1: memref<1024x1xi32, #tpu.memory_space<vmem>>, %arg2: memref<2048x1xf32, #tpu.memory_space<vmem>>, %arg3: memref<2048x160xf32, #tpu.memory_space<vmem>>, %arg4: memref<2048x512xf32, #tpu.memory_space<vmem>>, %arg5: memref<128x32xf32, #tpu.memory_space<vmem>>, %arg6: memref<1x1024x128xf32, #tpu.memory_space<vmem>>, %arg7: memref<1x1024x1xi32, #tpu.memory_space<vmem>>, %arg8: memref<1024x512xf32, #tpu.memory_space<vmem>>, %arg9: memref<1024x512xf32, #tpu.memory_space<vmem>>, %arg10: memref<1024x512xf32, #tpu.memory_space<vmem>>, %arg11: memref<1024x768xbf16, #tpu.memory_space<vmem>>, %arg12: memref<2048x768xbf16, #tpu.memory_space<vmem>>) attributes {dimension_semantics = [#tpu.dimension_semantics<arbitrary>], iteration_bounds = array<i64: 50>, scalar_prefetch = 0 : i64, scratch_operands = 4 : i64, tpu.core_type = #tpu.core_type<tc>, window_params = [{pipeline_mode = #tpu.pipeline_mode<synchronous>, transform_indices = @transform_0, window_bounds = array<i64: 1024, 1>}, {pipeline_mode = #tpu.pipeline_mode<synchronous>, transform_indices = @transform_1, window_bounds = array<i64: 2048, 1>}, {pipeline_mode = #tpu.pipeline_mode<synchronous>, transform_indices = @transform_2, window_bounds = array<i64: 2048, 160>}, {pipeline_mode = #tpu.pipeline_mode<synchronous>, transform_indices = @transform_3, window_bounds = array<i64: 2048, 512>}, {pipeline_mode = #tpu.pipeline_mode<synchronous>, transform_indices = @transform_4, window_bounds = array<i64: 128, 32>}, {transform_indices = @transform_5, window_bounds = array<i64: 1, 1024, 128>}, {transform_indices = @transform_6, window_bounds = array<i64: 1, 1024, 1>}, {pipeline_mode = #tpu.pipeline_mode<synchronous>, transform_indices = @transform_7, window_bounds = array<i64: 1024, 512>}]} {
    %eq3A = arith.constant 0 : i32
    %eq3A_0 = arith.cmpi eq, %arg0, %eq3A : i32
    %convert_element_type3A = arith.extui %eq3A_0 : i1 to i32
    %cond3A = arith.constant 0 : i32
    %cond3A_1 = arith.cmpi ne, %convert_element_type3A, %cond3A : i32
    scf.if %cond3A_1 {
      %broadcast_in_dim3A_88 = arith.constant 0.000000e+00 : f32
      %broadcast_in_dim3A_89 = vector.broadcast %broadcast_in_dim3A_88 : f32 to vector<1024x512xf32>
      %swap3A_90 = arith.constant 0 : index
      %swap3A_91 = arith.constant 0 : index
      %swap3A_92 = vector.load %arg9[%swap3A_90, %swap3A_91] : memref<1024x512xf32, #tpu.memory_space<vmem>>, vector<1024x512xf32>
      tpu.vector_store %arg9[%swap3A_90, %swap3A_91], %broadcast_in_dim3A_89 {strides = array<i32>} : memref<1024x512xf32, #tpu.memory_space<vmem>>, vector<1024x512xf32>,
      %broadcast_in_dim3A_93 = arith.constant 0.000000e+00 : f32
      %broadcast_in_dim3A_94 = vector.broadcast %broadcast_in_dim3A_93 : f32 to vector<1024x512xf32>
      %swap3A_95 = arith.constant 0 : index
      %swap3A_96 = arith.constant 0 : index
      %swap3A_97 = vector.load %arg10[%swap3A_95, %swap3A_96] : memref<1024x512xf32, #tpu.memory_space<vmem>>, vector<1024x512xf32>
      tpu.vector_store %arg10[%swap3A_95, %swap3A_96], %broadcast_in_dim3A_94 {strides = array<i32>} : memref<1024x512xf32, #tpu.memory_space<vmem>>, vector<1024x512xf32>,
      %broadcast_in_dim3A_98 = arith.constant 0.000000e+00 : bf16
      %broadcast_in_dim3A_99 = vector.broadcast %broadcast_in_dim3A_98 : bf16 to vector<1024x512xbf16>
      %swap3A_100 = arith.constant 0 : index
      %swap3A_101 = arith.constant 256 : index
      %swap3A_102 = vector.load %arg11[%swap3A_100, %swap3A_101] : memref<1024x768xbf16, #tpu.memory_space<vmem>>, vector<1024x512xbf16>
      tpu.vector_store %arg11[%swap3A_100, %swap3A_101], %broadcast_in_dim3A_99 {strides = array<i32>} : memref<1024x768xbf16, #tpu.memory_space<vmem>>, vector<1024x512xbf16>,
      %iota3A_103 = tpu.iota {dimensions = array<i32: 0>} : vector<2048x1xi32>
      %ge3A = arith.constant 1024 : i32
      %ge3A_104 = vector.broadcast %ge3A : i32 to vector<2048x1xi32>
      %ge3A_105 = arith.cmpi sge, %iota3A_103, %ge3A_104 : vector<2048x1xi32>
      %lt3A_106 = arith.constant 1536 : i32
      %lt3A_107 = vector.broadcast %lt3A_106 : i32 to vector<2048x1xi32>
      %lt3A_108 = arith.cmpi slt, %iota3A_103, %lt3A_107 : vector<2048x1xi32>
      %and3A = arith.andi %ge3A_105, %lt3A_108 : vector<2048x1xi1>
      %jit3A = arith.constant 1.000000e+00 : f32
      %jit3A_109 = arith.constant 5.000000e-01 : f32
      %broadcast_in_dim3A_110 = vector.broadcast %jit3A : f32 to vector<2048x1xf32>
      %broadcast_in_dim3A_111 = vector.broadcast %jit3A_109 : f32 to vector<2048x1xf32>
      %select_n3A_112 = arith.select %and3A, %broadcast_in_dim3A_110, %broadcast_in_dim3A_111 : vector<2048x1xi1>, vector<2048x1xf32>
      %get3A_113 = arith.constant 0 : index
      %get3A_114 = arith.constant 0 : index
      %get3A_115 = vector.load %arg3[%get3A_113, %get3A_114] : memref<2048x160xf32, #tpu.memory_space<vmem>>, vector<2048x128xf32>
      %mul3A_116 = vector.broadcast %select_n3A_112 : vector<2048x1xf32> to vector<2048x128xf32>
      %mul3A_117 = arith.mulf %get3A_115, %mul3A_116 : vector<2048x128xf32>
      %convert_element_type3A_118 = arith.truncf %mul3A_117 : vector<2048x128xf32> to vector<2048x128xbf16>
      %swap3A_119 = arith.constant 0 : index
      %swap3A_120 = arith.constant 0 : index
      %swap3A_121 = vector.load %arg12[%swap3A_119, %swap3A_120] : memref<2048x768xbf16, #tpu.memory_space<vmem>>, vector<2048x128xbf16>
      tpu.vector_store %arg12[%swap3A_119, %swap3A_120], %convert_element_type3A_118 {strides = array<i32>} : memref<2048x768xbf16, #tpu.memory_space<vmem>>, vector<2048x128xbf16>,
      %get3A_122 = arith.constant 0 : index
      %get3A_123 = arith.constant 128 : index
      %get3A_124 = vector.load %arg3[%get3A_122, %get3A_123] : memref<2048x160xf32, #tpu.memory_space<vmem>>, vector<2048x32xf32>
      %get3A_125 = arith.constant 0 : index
      %get3A_126 = arith.constant 0 : index
      %get3A_127 = vector.load %arg5[%get3A_125, %get3A_126] : memref<128x32xf32, #tpu.memory_space<vmem>>, vector<128x32xf32>
      %dot_general3A_128 = arith.constant dense<0.000000e+00> : vector<2048x128xf32>
      %dot_general3A_129 = tpu.matmul %get3A_124, %get3A_127, %dot_general3A_128 {dimension_numbers = #tpu.dot_dimension_numbers<[1], [1], [0], [0], [0, 0, 1, 0], [], []>, transpose_lhs_hint = false} : vector<2048x32xf32>, vector<128x32xf32>, vector<2048x128xf32> -> vector<2048x128xf32>
      %get3A_130 = arith.constant 0 : index
      %get3A_131 = arith.constant 0 : index
      %get3A_132 = vector.load %arg2[%get3A_130, %get3A_131] : memref<2048x1xf32, #tpu.memory_space<vmem>>, vector<2048x1xf32>
      %add3A_133 = vector.broadcast %get3A_132 : vector<2048x1xf32> to vector<2048x128xf32>
      %add3A_134 = arith.addf %dot_general3A_129, %add3A_133 : vector<2048x128xf32>
      %mul3A_135 = vector.broadcast %select_n3A_112 : vector<2048x1xf32> to vector<2048x128xf32>
      %mul3A_136 = arith.mulf %add3A_134, %mul3A_135 : vector<2048x128xf32>
      %convert_element_type3A_137 = arith.truncf %mul3A_136 : vector<2048x128xf32> to vector<2048x128xbf16>
      %swap3A_138 = arith.constant 0 : index
      %swap3A_139 = arith.constant 128 : index
      %swap3A_140 = vector.load %arg12[%swap3A_138, %swap3A_139] : memref<2048x768xbf16, #tpu.memory_space<vmem>>, vector<2048x128xbf16>
      tpu.vector_store %arg12[%swap3A_138, %swap3A_139], %convert_element_type3A_137 {strides = array<i32>} : memref<2048x768xbf16, #tpu.memory_space<vmem>>, vector<2048x128xbf16>,
      %get3A_141 = arith.constant 0 : index
      %get3A_142 = arith.constant 0 : index
      %get3A_143 = vector.load %arg4[%get3A_141, %get3A_142] : memref<2048x512xf32, #tpu.memory_space<vmem>>, vector<2048x512xf32>
      %mul3A_144 = vector.broadcast %select_n3A_112 : vector<2048x1xf32> to vector<2048x512xf32>
      %mul3A_145 = arith.mulf %get3A_143, %mul3A_144 : vector<2048x512xf32>
      %convert_element_type3A_146 = arith.truncf %mul3A_145 : vector<2048x512xf32> to vector<2048x512xbf16>
      %swap3A_147 = arith.constant 0 : index
      %swap3A_148 = arith.constant 256 : index
      %swap3A_149 = vector.load %arg12[%swap3A_147, %swap3A_148] : memref<2048x768xbf16, #tpu.memory_space<vmem>>, vector<2048x512xbf16>
      tpu.vector_store %arg12[%swap3A_147, %swap3A_148], %convert_element_type3A_146 {strides = array<i32>} : memref<2048x768xbf16, #tpu.memory_space<vmem>>, vector<2048x512xbf16>,
    } else {
    }
    %get3A = arith.constant 0 : index
    %get3A_2 = arith.constant 0 : index
    %get3A_3 = arith.constant 0 : index
    %get3A_4 = vector.load %arg6[%get3A, %get3A_2, %get3A_3] : memref<1x1024x128xf32, #tpu.memory_space<vmem>>, vector<1x1024x128xf32>
    %get3A_5 = vector.shape_cast %get3A_4 : vector<1x1024x128xf32> to vector<1024x128xf32>
    %convert_element_type3A_6 = arith.truncf %get3A_5 : vector<1024x128xf32> to vector<1024x128xbf16>
    %swap3A = arith.constant 0 : index
    %swap3A_7 = arith.constant 0 : index
    %swap3A_8 = vector.load %arg11[%swap3A, %swap3A_7] : memref<1024x768xbf16, #tpu.memory_space<vmem>>, vector<1024x128xbf16>
    tpu.vector_store %arg11[%swap3A, %swap3A_7], %convert_element_type3A_6 {strides = array<i32>} : memref<1024x768xbf16, #tpu.memory_space<vmem>>, vector<1024x128xbf16>,
    %iota3A = tpu.iota {dimensions = array<i32: 1>} : vector<1024x128xi32>
    %get3A_9 = arith.constant 0 : index
    %get3A_10 = arith.constant 0 : index
    %get3A_11 = arith.constant 0 : index
    %get3A_12 = vector.load %arg7[%get3A_9, %get3A_10, %get3A_11] : memref<1x1024x1xi32, #tpu.memory_space<vmem>>, vector<1x1024x1xi32>
    %get3A_13 = vector.shape_cast %get3A_12 : vector<1x1024x1xi32> to vector<1024x1xi32>
    %eq3A_14 = vector.broadcast %get3A_13 : vector<1024x1xi32> to vector<1024x128xi32>
    %eq3A_15 = arith.cmpi eq, %iota3A, %eq3A_14 : vector<1024x128xi32>
    %convert_element_type3A_16 = arith.extui %eq3A_15 : vector<1024x128xi1> to vector<1024x128xi32>
    %convert_element_type3A_17 = arith.sitofp %convert_element_type3A_16 : vector<1024x128xi32> to vector<1024x128xf32>
    %convert_element_type3A_18 = arith.truncf %convert_element_type3A_17 : vector<1024x128xf32> to vector<1024x128xbf16>
    %swap3A_19 = arith.constant 0 : index
    %swap3A_20 = arith.constant 128 : index
    %swap3A_21 = vector.load %arg11[%swap3A_19, %swap3A_20] : memref<1024x768xbf16, #tpu.memory_space<vmem>>, vector<1024x128xbf16>
    tpu.vector_store %arg11[%swap3A_19, %swap3A_20], %convert_element_type3A_18 {strides = array<i32>} : memref<1024x768xbf16, #tpu.memory_space<vmem>>, vector<1024x128xbf16>,
    %get3A_22 = arith.constant 0 : index
    %get3A_23 = arith.constant 0 : index
    %get3A_24 = vector.load %arg11[%get3A_22, %get3A_23] : memref<1024x768xbf16, #tpu.memory_space<vmem>>, vector<1024x768xbf16>
    %get3A_25 = arith.constant 0 : index
    %get3A_26 = arith.constant 0 : index
    %get3A_27 = vector.load %arg12[%get3A_25, %get3A_26] : memref<2048x768xbf16, #tpu.memory_space<vmem>>, vector<2048x768xbf16>
    %dot_general3A = arith.constant dense<0.000000e+00> : vector<1024x2048xf32>
    %dot_general3A_28 = tpu.matmul %get3A_24, %get3A_27, %dot_general3A {dimension_numbers = #tpu.dot_dimension_numbers<[1], [1], [0], [0], [0, 0, 1, 0], [], []>, transpose_lhs_hint = false} : vector<1024x768xbf16>, vector<2048x768xbf16>, vector<1024x2048xf32> -> vector<1024x2048xf32>
    %slice3A = vector.extract_strided_slice %dot_general3A_28 {offsets = [0, 0], sizes = [1024, 512], strides = [1, 1]} : vector<1024x2048xf32> to vector<1024x512xf32>
    %tanh3A = math.tanh %slice3A : vector<1024x512xf32>
    %mul3A = arith.constant 5.000000e-01 : f32
    %mul3A_29 = vector.broadcast %mul3A : f32 to vector<1024x512xf32>
    %mul3A_30 = arith.mulf %mul3A_29, %tanh3A : vector<1024x512xf32>
    %add3A = arith.constant 5.000000e-01 : f32
    %add3A_31 = vector.broadcast %add3A : f32 to vector<1024x512xf32>
    %add3A_32 = arith.addf %mul3A_30, %add3A_31 : vector<1024x512xf32>
    %slice3A_33 = vector.extract_strided_slice %dot_general3A_28 {offsets = [0, 512], sizes = [1024, 512], strides = [1, 1]} : vector<1024x2048xf32> to vector<1024x512xf32>
    %tanh3A_34 = math.tanh %slice3A_33 : vector<1024x512xf32>
    %mul3A_35 = arith.constant 5.000000e-01 : f32
    %mul3A_36 = vector.broadcast %mul3A_35 : f32 to vector<1024x512xf32>
    %mul3A_37 = arith.mulf %mul3A_36, %tanh3A_34 : vector<1024x512xf32>
    %add3A_38 = arith.constant 5.000000e-01 : f32
    %add3A_39 = vector.broadcast %add3A_38 : f32 to vector<1024x512xf32>
    %add3A_40 = arith.addf %mul3A_37, %add3A_39 : vector<1024x512xf32>
    %slice3A_41 = vector.extract_strided_slice %dot_general3A_28 {offsets = [0, 1024], sizes = [1024, 512], strides = [1, 1]} : vector<1024x2048xf32> to vector<1024x512xf32>
    %tanh3A_42 = math.tanh %slice3A_41 : vector<1024x512xf32>
    %slice3A_43 = vector.extract_strided_slice %dot_general3A_28 {offsets = [0, 1536], sizes = [1024, 512], strides = [1, 1]} : vector<1024x2048xf32> to vector<1024x512xf32>
    %tanh3A_44 = math.tanh %slice3A_43 : vector<1024x512xf32>
    %mul3A_45 = arith.constant 5.000000e-01 : f32
    %mul3A_46 = vector.broadcast %mul3A_45 : f32 to vector<1024x512xf32>
    %mul3A_47 = arith.mulf %mul3A_46, %tanh3A_44 : vector<1024x512xf32>
    %add3A_48 = arith.constant 5.000000e-01 : f32
    %add3A_49 = vector.broadcast %add3A_48 : f32 to vector<1024x512xf32>
    %add3A_50 = arith.addf %mul3A_47, %add3A_49 : vector<1024x512xf32>
    %get3A_51 = arith.constant 0 : index
    %get3A_52 = arith.constant 0 : index
    %get3A_53 = vector.load %arg10[%get3A_51, %get3A_52] : memref<1024x512xf32, #tpu.memory_space<vmem>>, vector<1024x512xf32>
    %mul3A_54 = arith.mulf %add3A_40, %get3A_53 : vector<1024x512xf32>
    %mul3A_55 = arith.mulf %add3A_32, %tanh3A_42 : vector<1024x512xf32>
    %add3A_56 = arith.addf %mul3A_54, %mul3A_55 : vector<1024x512xf32>
    %tanh3A_57 = math.tanh %add3A_56 : vector<1024x512xf32>
    %mul3A_58 = arith.mulf %add3A_50, %tanh3A_57 : vector<1024x512xf32>
    %get3A_59 = arith.constant 0 : index
    %get3A_60 = arith.constant 0 : index
    %get3A_61 = vector.load %arg1[%get3A_59, %get3A_60] : memref<1024x1xi32, #tpu.memory_space<vmem>>, vector<1024x1xi32>
    %lt3A = vector.broadcast %arg0 : i32 to vector<1024x1xi32>
    %lt3A_62 = arith.cmpi slt, %lt3A, %get3A_61 : vector<1024x1xi32>
    %get3A_63 = arith.constant 0 : index
    %get3A_64 = arith.constant 0 : index
    %get3A_65 = vector.load %arg9[%get3A_63, %get3A_64] : memref<1024x512xf32, #tpu.memory_space<vmem>>, vector<1024x512xf32>
    %broadcast_in_dim3A = vector.shape_cast %lt3A_62 : vector<1024x1xi1> to vector<1024x1xi1>
    %broadcast_in_dim3A_66 = vector.broadcast %broadcast_in_dim3A : vector<1024x1xi1> to vector<1024x512xi1>
    %select_n3A = arith.select %broadcast_in_dim3A_66, %mul3A_58, %get3A_65 : vector<1024x512xi1>, vector<1024x512xf32>
    %swap3A_67 = arith.constant 0 : index
    %swap3A_68 = arith.constant 0 : index
    %swap3A_69 = vector.load %arg9[%swap3A_67, %swap3A_68] : memref<1024x512xf32, #tpu.memory_space<vmem>>, vector<1024x512xf32>
    tpu.vector_store %arg9[%swap3A_67, %swap3A_68], %select_n3A {strides = array<i32>} : memref<1024x512xf32, #tpu.memory_space<vmem>>, vector<1024x512xf32>,
    %get3A_70 = arith.constant 0 : index
    %get3A_71 = arith.constant 0 : index
    %get3A_72 = vector.load %arg10[%get3A_70, %get3A_71] : memref<1024x512xf32, #tpu.memory_space<vmem>>, vector<1024x512xf32>
    %broadcast_in_dim3A_73 = vector.shape_cast %lt3A_62 : vector<1024x1xi1> to vector<1024x1xi1>
    %broadcast_in_dim3A_74 = vector.broadcast %broadcast_in_dim3A_73 : vector<1024x1xi1> to vector<1024x512xi1>
    %select_n3A_75 = arith.select %broadcast_in_dim3A_74, %add3A_56, %get3A_72 : vector<1024x512xi1>, vector<1024x512xf32>
    %swap3A_76 = arith.constant 0 : index
    %swap3A_77 = arith.constant 0 : index
    %swap3A_78 = vector.load %arg10[%swap3A_76, %swap3A_77] : memref<1024x512xf32, #tpu.memory_space<vmem>>, vector<1024x512xf32>
    tpu.vector_store %arg10[%swap3A_76, %swap3A_77], %select_n3A_75 {strides = array<i32>} : memref<1024x512xf32, #tpu.memory_space<vmem>>, vector<1024x512xf32>,
    %convert_element_type3A_79 = arith.truncf %select_n3A : vector<1024x512xf32> to vector<1024x512xbf16>
    %swap3A_80 = arith.constant 0 : index
    %swap3A_81 = arith.constant 256 : index
    %swap3A_82 = vector.load %arg11[%swap3A_80, %swap3A_81] : memref<1024x768xbf16, #tpu.memory_space<vmem>>, vector<1024x512xbf16>
    tpu.vector_store %arg11[%swap3A_80, %swap3A_81], %convert_element_type3A_79 {strides = array<i32>} : memref<1024x768xbf16, #tpu.memory_space<vmem>>, vector<1024x512xbf16>,
    %eq3A_83 = arith.constant 49 : i32
    %eq3A_84 = arith.cmpi eq, %arg0, %eq3A_83 : i32
    %convert_element_type3A_85 = arith.extui %eq3A_84 : i1 to i32
    %cond3A_86 = arith.constant 0 : i32
    %cond3A_87 = arith.cmpi ne, %convert_element_type3A_85, %cond3A_86 : i32
    scf.if %cond3A_87 {
      %get3A_88 = arith.constant 0 : index
      %get3A_89 = arith.constant 0 : index
      %get3A_90 = vector.load %arg9[%get3A_88, %get3A_89] : memref<1024x512xf32, #tpu.memory_space<vmem>>, vector<1024x512xf32>
      %swap3A_91 = arith.constant 0 : index
      %swap3A_92 = arith.constant 0 : index
      %swap3A_93 = vector.load %arg8[%swap3A_91, %swap3A_92] : memref<1024x512xf32, #tpu.memory_space<vmem>>, vector<1024x512xf32>
      tpu.vector_store %arg8[%swap3A_91, %swap3A_92], %get3A_90 {strides = array<i32>} : memref<1024x512xf32, #tpu.memory_space<vmem>>, vector<1024x512xf32>,
    } else {
    }
    return
  }
  func.func @transform_0(%arg0: i32) -> (i32, i32) {
    %c0_i32 = arith.constant 0 : i32
    %c0_i32_0 = arith.constant 0 : i32
    %c0_i32_1 = arith.constant 0 : i32
    return %c0_i32, %c0_i32_0 : i32, i32
  }
  func.func @transform_1(%arg0: i32) -> (i32, i32) {
    %c0_i32 = arith.constant 0 : i32
    %c0_i32_0 = arith.constant 0 : i32
    %c0_i32_1 = arith.constant 0 : i32
    return %c0_i32, %c0_i32_0 : i32, i32
  }
  func.func @transform_2(%arg0: i32) -> (i32, i32) {
    %c0_i32 = arith.constant 0 : i32
    %c0_i32_0 = arith.constant 0 : i32
    %c0_i32_1 = arith.constant 0 : i32
    return %c0_i32, %c0_i32_0 : i32, i32
  }
  func.func @transform_3(%arg0: i32) -> (i32, i32) {
    %c0_i32 = arith.constant 0 : i32
    %c0_i32_0 = arith.constant 0 : i32
    %c0_i32_1 = arith.constant 0 : i32
    return %c0_i32, %c0_i32_0 : i32, i32
  }
  func.func @transform_4(%arg0: i32) -> (i32, i32) {
    %c0_i32 = arith.constant 0 : i32
    %c0_i32_0 = arith.constant 0 : i32
    %c0_i32_1 = arith.constant 0 : i32
    return %c0_i32, %c0_i32_0 : i32, i32
  }
  func.func @transform_5(%arg0: i32) -> (i32, i32, i32) {
    %c0_i32 = arith.constant 0 : i32
    %c0_i32_0 = arith.constant 0 : i32
    %c0_i32_1 = arith.constant 0 : i32
    return %arg0, %c0_i32, %c0_i32_0 : i32, i32, i32
  }
  func.func @transform_6(%arg0: i32) -> (i32, i32, i32) {
    %c0_i32 = arith.constant 0 : i32
    %c0_i32_0 = arith.constant 0 : i32
    %c0_i32_1 = arith.constant 0 : i32
    return %arg0, %c0_i32, %c0_i32_0 : i32, i32, i32
  }
  func.func @transform_7(%arg0: i32) -> (i32, i32) {
    %c0_i32 = arith.constant 0 : i32
    %c0_i32_0 = arith.constant 0 : i32
    %c0_i32_1 = arith.constant 0 : i32
    return %c0_i32, %c0_i32_0 : i32, i32
  }
}

module attributes {stable_mosaic.version = 14 : i64} {
  func.func @_proj_body(%arg0: i32, %arg1: i32, %arg2: memref<256x512xf32, #tpu.memory_space<vmem>>, %arg3: memref<1280x512xf32, #tpu.memory_space<vmem>>, %arg4: memref<1x1280xf32, #tpu.memory_space<vmem>>, %arg5: memref<256x1280xf32, #tpu.memory_space<vmem>>) attributes {dimension_semantics = [#tpu.dimension_semantics<arbitrary>, #tpu.dimension_semantics<arbitrary>], iteration_bounds = array<i64: 4, 4>, scalar_prefetch = 0 : i64, scratch_operands = 0 : i64, tpu.core_type = #tpu.core_type<tc>, window_params = [{transform_indices = @transform_0, window_bounds = array<i64: 256, 512>}, {transform_indices = @transform_1, window_bounds = array<i64: 1280, 512>}, {transform_indices = @transform_2, window_bounds = array<i64: 1, 1280>}, {transform_indices = @transform_3, window_bounds = array<i64: 256, 1280>}]} {
    %get3A = arith.constant 0 : index
    %get3A_0 = arith.constant 0 : index
    %get3A_1 = vector.load %arg2[%get3A, %get3A_0] : memref<256x512xf32, #tpu.memory_space<vmem>>, vector<256x512xf32>
    %convert_element_type3A = arith.truncf %get3A_1 : vector<256x512xf32> to vector<256x512xbf16>
    %get3A_2 = arith.constant 0 : index
    %get3A_3 = arith.constant 0 : index
    %get3A_4 = vector.load %arg3[%get3A_2, %get3A_3] : memref<1280x512xf32, #tpu.memory_space<vmem>>, vector<1280x512xf32>
    %convert_element_type3A_5 = arith.truncf %get3A_4 : vector<1280x512xf32> to vector<1280x512xbf16>
    %dot_general3A = arith.constant dense<0.000000e+00> : vector<256x1280xf32>
    %dot_general3A_6 = tpu.matmul %convert_element_type3A, %convert_element_type3A_5, %dot_general3A {dimension_numbers = #tpu.dot_dimension_numbers<[1], [1], [0], [0], [0, 0, 1, 0], [], []>, transpose_lhs_hint = false} : vector<256x512xbf16>, vector<1280x512xbf16>, vector<256x1280xf32> -> vector<256x1280xf32>
    %get3A_7 = arith.constant 0 : index
    %get3A_8 = arith.constant 0 : index
    %get3A_9 = vector.load %arg4[%get3A_7, %get3A_8] : memref<1x1280xf32, #tpu.memory_space<vmem>>, vector<1x1280xf32>
    %add3A = vector.broadcast %get3A_9 : vector<1x1280xf32> to vector<256x1280xf32>
    %add3A_10 = arith.addf %dot_general3A_6, %add3A : vector<256x1280xf32>
    %swap3A = arith.constant 0 : index
    %swap3A_11 = arith.constant 0 : index
    %swap3A_12 = vector.load %arg5[%swap3A, %swap3A_11] : memref<256x1280xf32, #tpu.memory_space<vmem>>, vector<256x1280xf32>
    tpu.vector_store %arg5[%swap3A, %swap3A_11], %add3A_10 {strides = array<i32>} : memref<256x1280xf32, #tpu.memory_space<vmem>>, vector<256x1280xf32>,
    return
  }
  func.func @transform_0(%arg0: i32, %arg1: i32) -> (i32, i32) {
    %c0_i32 = arith.constant 0 : i32
    %c0_i32_0 = arith.constant 0 : i32
    return %arg1, %c0_i32 : i32, i32
  }
  func.func @transform_1(%arg0: i32, %arg1: i32) -> (i32, i32) {
    %c0_i32 = arith.constant 0 : i32
    %c0_i32_0 = arith.constant 0 : i32
    return %arg0, %c0_i32 : i32, i32
  }
  func.func @transform_2(%arg0: i32, %arg1: i32) -> (i32, i32) {
    %c0_i32 = arith.constant 0 : i32
    %c0_i32_0 = arith.constant 0 : i32
    return %c0_i32, %arg0 : i32, i32
  }
  func.func @transform_3(%arg0: i32, %arg1: i32) -> (i32, i32) {
    %c0_i32 = arith.constant 0 : i32
    return %arg1, %arg0 : i32, i32
  }
}

</mosaic_0001>

<sc_bundles>
// kernel: kernel.6.cloned.1.call-start
scs
__scs_entry_jumppad:
0x0: {  	(pc) =	sbr.rel $0x88, $3  }
0x1: {  	(tag) =	ssettag $0x0;
	lr =	simm.s32 $0x1  }
0x2: {  	[smem:$0x3F94] =	sst lr;
	_ =	strace $0xD0000000  }
0x3: {  	_ = 	snop  }
0x4: {  	_ = 	snop  }
0x5: {  	_ = 	snop  }
0x6: {  	_ = 	snop  }
0x7: {  	_ = 	snop  }
__scs_overlays_trampoline_lowered:
0x8: {  	[smem:$0x3FA3] =	sst s0  }
0x9: {  	[smem:$0x3FA4] =	sst s1  }
0xa: {  	[smem:$0x3FA5] =	sst s2  }
0xb: {  	[smem:$0x3FA6] =	sst s3  }
0xc: {  	[smem:$0x3FA7] =	sst s4  }
0xd: {  	[smem:$0x3FA8] =	sst s5  }
0xe: {  	[smem:$0x3FA9] =	sst s6  }
0xf: {  	[smem:$0x3FAA] =	sst s7  }
0x10: {  	[smem:$0x3FAB] =	sst s8  }
0x11: {  	[smem:$0x3FAC] =	sst s9;
	s0 =	simm.s32 @!p0 $0x0  }
0x12: {  	s1 =	sld [smem:$0x3F92];
	s0 =	simm.s32 @p0 $0x1  }
0x13: {  	[smem:$0x3FAD] =	sst s0;
	s0 =	simm.s32 @!p1 $0x0  }
0x14: {  	s2 =	sld [smem:$0x3F91];
	s0 =	simm.s32 @p1 $0x1  }
0x15: {  	[smem:$0x3FAE] =	sst s0;
	s0 =	simm.s32 @!p2 $0x0  }
0x16: {  	s3 =	sld [smem:$0x3FDB];
	s0 =	simm.s32 @p2 $0x1  }
0x17: {  	s4 =	simm.s32 $0x1BF5;
	[smem:$0x3FB0] =	sst s0  }
0x18: {  	s0 =	sld [smem:$0x3F93];
	_ =	swait.ge [sflag:s4], $0x0  }
0x19: {  	s7 =	sld [smem:$0x3F94]  }
0x1a: {  	s8 =	sadd.s32 $0xFFFFE003, lr  }
0x1b: {  	s9 =	sadd.s32 $0xFFFFFEF7, lr;
	s5 =	simm.s32 $0xFFFFFFFF;
	p2 =	slt.u32 s8, $0xFFFFF086  }
0x1c: {  	p1 =	slt.u32 s9, $0xF7A;
	s5 =	simm.s32 @!p2 $0x0  }
0x1d: {  	s5 =	simm.s32 @p1 $0x1;
	p0 =	seq.s32 s7, s2  }
0x1e: {  	s7 =	smul.u32 @!p0 $0xF7A, s2;
	p2 =	seq.s32 @!p0 s5, $0x0  }
0x1f: {  	s9 =	smul.u32 $0xF7A, s1;
	s8 =	simm.s32 @!p0 $0x1BF5;
	p2 =	por !p2, p0  }
0x20: {  	[sflag:s8] =	ssyncset.s32 @!p0 $0xFFFFF086;
	s6 =	sadd.s32 @!p0 s3, s7;
	s7 =	simm.s32 @!p0 $0x108  }
0x21: {  	s3 =	sadd.s32 s3, s9;
	s6 =	sadd.s32 @!p0 $0x88, s6;
	s7 =	simm.s32 @p2 $0x1082  }
0x22: {  	[simem:s7], [sflag:s8] =	dma.local @!p0 [hbm:s6], $0xF7A  }
0x23: {  	s9 =	sor.u32 $0xD0000000, s2;
	s6 =	simm.s32 $0x108;
	_ =	swait.ge @!p0 [sflag:s8], $0x0  }
0x24: {  	s3 =	sadd.s32 $0x88, s3;
	s6 =	simm.s32 @!p1 $0x1082;
	[sflag:s4] =	ssyncset.s32 $0xFFFFF086  }
0x25: {  	[simem:s6], [sflag:s4] =	dma.local [hbm:s3], $0xF7A  }
0x26: {  	[smem:$0x3F94] =	sst s1;
	(tag) =	ssettag s2;
	_ =	strace s9  }
0x27: {  	s1 =	sld [smem:$0x3FA4]  }
0x28: {  	s2 =	sld [smem:$0x3FA5]  }
0x29: {  	s4 =	sld [smem:$0x3FA7]  }
0x2a: {  	p0 =	seq.s32 s5, $0x0;
	s5 =	sld [smem:$0x3FA8]  }
0x2b: {  	s6 =	sld [smem:$0x3FA9]  }
0x2c: {  	s7 =	sld [smem:$0x3FAA]  }
0x2d: {  	s3 =	simm.s32 $0x108;
	s8 =	sld [smem:$0x3FAB]  }
0x2e: {  	s3 =	simm.s32 @!p0 $0x1082;
	s9 =	sld [smem:$0x3FAC]  }
0x2f: {  	lr =	sadd.s32 s0, s3;
	s0 =	sld [smem:$0x3FA3]  }
0x30: {  	s3 =	sld [smem:$0x3FA6]  }
0x31: {  	[smem:$0x3FAF] =	sst s10  }
0x32: {  	s10 =	sld [smem:$0x3FAD];
	_ =	sdelay $0x3  }
0x33: {  	p0 =	seq.s32 s10, $0x1;
	s10 =	sld [smem:$0x3FAF];
	_ =	sdelay $0x3  }
0x34: {  	[smem:$0x3FAF] =	sst s10  }
0x35: {  	s10 =	sld [smem:$0x3FAE];
	_ =	sdelay $0x3  }
0x36: {  	p1 =	seq.s32 s10, $0x1;
	s10 =	sld [smem:$0x3FAF];
	_ =	sdelay $0x3  }
0x37: {  	[smem:$0x3FAF] =	sst s10  }
0x38: {  	s10 =	sld [smem:$0x3FB0]  }
0x39: {  	_ = 	snop;
	(pc) =	sbr.ind lr, $3  }
0x3a: {  	_ = 	snop  }
0x3b: {  	_ = 	snop  }
0x3c: {  	p2 =	seq.s32 s10, $0x1;
	s10 =	sld [smem:$0x3FAF]  }
0x3d: {  	_ =	shalt  }
0x3e: {  	_ =	shalt  }
0x3f: {  	_ =	shalt  }
0x40: {  	_ =	shalt  }
0x41: {  	_ =	shalt  }
0x42: {  	_ =	shalt  }
0x43: {  	_ =	shalt  }
0x44: {  	_ =	shalt  }
0x45: {  	_ =	shalt  }
0x46: {  	_ =	shalt  }
0x47: {  	_ =	shalt  }
0x48: {  	_ =	shalt  }
0x49: {  	_ =	shalt  }
0x4a: {  	_ =	shalt  }
0x4b: {  	_ =	shalt  }
0x4c: {  	_ =	shalt  }
0x4d: {  	_ =	shalt  }
0x4e: {  	_ =	shalt  }
0x4f: {  	_ =	shalt  }
0x50: {  	_ =	shalt  }
0x51: {  	_ =	shalt  }
0x52: {  	_ =	shalt  }
0x53: {  	_ =	shalt  }
0x54: {  	_ =	shalt  }
0x55: {  	_ =	shalt  }
0x56: {  	_ =	shalt  }
0x57: {  	_ =	shalt  }
0x58: {  	_ =	shalt  }
0x59: {  	_ =	shalt  }
0x5a: {  	_ =	shalt  }
0x5b: {  	_ =	shalt  }
0x5c: {  	_ =	shalt  }
0x5d: {  	_ =	shalt  }
0x5e: {  	_ =	shalt  }
0x5f: {  	_ =	shalt  }
0x60: {  	_ =	shalt  }
0x61: {  	_ =	shalt  }
0x62: {  	_ =	shalt  }
0x63: {  	_ =	shalt  }
0x64: {  	_ =	shalt  }
0x65: {  	_ =	shalt  }
0x66: {  	_ =	shalt  }
0x67: {  	_ =	shalt  }
0x68: {  	_ =	shalt  }
0x69: {  	_ =	shalt  }
0x6a: {  	_ =	shalt  }
0x6b: {  	_ =	shalt  }
0x6c: {  	_ =	shalt  }
0x6d: {  	_ =	shalt  }
0x6e: {  	_ =	shalt  }
0x6f: {  	_ =	shalt  }
0x70: {  	_ =	shalt  }
0x71: {  	_ =	shalt  }
0x72: {  	_ =	shalt  }
0x73: {  	_ =	shalt  }
0x74: {  	_ =	shalt  }
0x75: {  	_ =	shalt  }
0x76: {  	_ =	shalt  }
0x77: {  	_ =	shalt  }
0x78: {  	_ =	shalt  }
0x79: {  	_ =	shalt  }
0x7a: {  	_ =	shalt  }
0x7b: {  	_ =	shalt  }
0x7c: {  	_ =	shalt  }
0x7d: {  	_ =	shalt  }
0x7e: {  	_ =	shalt  }
0x7f: {  	_ =	shalt  }
0x80: {  	_ =	shalt  }
0x81: {  	_ =	shalt  }
0x82: {  	_ =	shalt  }
0x83: {  	_ =	shalt  }
0x84: {  	_ =	shalt  }
0x85: {  	_ =	shalt  }
0x86: {  	_ =	shalt  }
0x87: {  	_ =	shalt  }
.Lfunc_end0:
.L_simem_size_0:
called_computation_lowered:
.L_overlay_start_0:
0x88: {  	s2 =	sld [smem:$0x3FD9]  }
0x89: {  	s3 =	sld [smem:$0x3FFE];
	_ =	sdelay $0x1  }
0x8a: {  	s1 =	srdreg.scid  }
0x8b: {  	s0 =	sand.u32 $0x1, s1  }
0x8c: {  	s14 =	sshll.u32 s0, $0xA;
	s2 =	sadd.s32 s3, s2  }
0x8d: {  	s2 =	sadd.s32 s2, s14  }
0x8e: {  	[smem:$0x3FBB] =	sst s2  }
0x8f: {  	_ = 	snop  }
0x90: {  	s2 =	sld [smem:$0x3FD0];
	_ =	sdelay $0x2  }
0x91: {  	s4 =	simm.s32 $0xA;
	s5 =	simm.s32 $0x10;
	s15 =	sld [smem:$0x3FC6]  }
0x92: {  	[smem:s5], [sflag:s4] =	dma.local [hbm:s2], $0x1  }
0x93: {  	_ =	swait.eq [sflag:s4], $0x1  }
0x94: {  	[sflag:s4] =	ssyncset.done $0x0  }
0x95: {  	[sflag:s4] =	ssyncadd.s32 $0xFFFFFFFF  }
0x96: {  	s16 =	sld [smem:$0x10];
	(tm) =	ssettm $0x1  }
0x97: {  	s17 =	sld [smem:$0x3FFB];
	_ =	sdelay $0x3  }
0x98: {  	_ =	strace s17  }
0x99: {  	s4 =	sld [smem:$0x3FFC];
	_ =	sdelay $0x3  }
0x9a: {  	_ =	strace s4  }
0x9b: {  	s4 =	sld [smem:$0x3FFD];
	_ =	sdelay $0x3  }
0x9c: {  	_ =	strace s4  }
0x9d: {  	_ =	strace $0x8FFFFFFF  }
0x9e: {  	s18 =	sld [smem:$0x3FDB];
	_ =	sdelay $0x1  }
0x9f: {  	s19 =	simm.s32 $_scs_section_size  }
0xa0: {  	s6 =	simm.s32 $_size__tile_overlayer_lowered;
	s7 =	simm.s32 $_tile_overlayer_lowered  }
0xa1: {  	s22 =	simm.s32 $0x1BFF;
	s21 =	sshll.u32 s7, $0x1;
	s4 =	sadd.s32 s19, s18  }
0xa2: {  	s8 =	simm.s32 $0x0;
	s20 =	sshll.u32 s6, $0x1;
	s6 =	sadd.s32 s21, s4  }
0xa3: {  	[timem:s8], [sflag:s22] =	dma.local [hbm:s6], s20  }
0xa4: {  	_ =	swait.ge [sflag:s22], s20  }
0xa5: {  	s5 =	ssub.s32 $0x0, s20;
	[sflag:s22] =	ssyncset.done $0x0  }
0xa6: {  	[sflag:s22] =	ssyncadd.s32 s5;
	_ =	sdelay $0x1  }
0xa7: {  	s23 =	simm.s32 $0x1B8B  }
0xa8: {  	_ =	swait.ge [sflag:s23], $0x1  }
0xa9: {  	[sflag:s23] =	ssyncset.done $0x0  }
0xaa: {  	s25 =	simm.s32 $0x1B8E;
	s24 =	sld [smem:$0x3FFE];
	[sflag:s23] =	ssyncadd.s32 $0xFFFFFFFF  }
0xab: {  	s26 =	simm.s32 $execute0_lowered;
	[smem:$0x3FD2] =	sst s25  }
0xac: {  	s6 =	sshll.u32 s26, $0x1;
	_ =	strace $0x80000046;
	[dreg:$0x1] =	wrdreg $0xFFFFFFFF  }
0xad: {  	s28 =	simm.s32 $_size_execute0_lowered;
	s4 =	sadd.s32 s4, s6;
	[dreg:$0x0] =	wrdreg $0x0  }
0xae: {  	s6 =	sshll.u32 s28, $0x1;
	[dreg:$0x2] =	wrdreg s4  }
0xaf: {  	[dreg:$0x3] =	wrdreg s6  }
0xb0: {  	[dreg:$0x4] =	wrdreg $0xC0  }
0xb1: {  	_ =	task [dreg:s8], $0x5FFFF  }
0xb2: {  	[dreg:$0x1] =	wrdreg $0xFFFFFFFF  }
0xb3: {  	[dreg:$0x0] =	wrdreg $0x60  }
0xb4: {  	[dreg:$0x2] =	wrdreg s15  }
0xb5: {  	[dreg:$0x3] =	wrdreg s16  }
0xb6: {  	[dreg:$0x4] =	wrdreg s24  }
0xb7: {  	[dreg:$0x5] =	wrdreg $0x9  }
0xb8: {  	_ =	task.clear_ibuf [dreg:s8], $0x6FFFF;
	_ =	strace $0x90000046  }
0xb9: {  	s29 =	simm.s32 $0x9;
	_ =	strace $0x80000048  }
0xba: {  	_ =	swait.ge [sflag:s29], $0x1  }
0xbb: {  	[sflag:s29] =	ssyncadd.s32 $0xFFFFFFFF  }
0xbc: {  	_ =	strace $0x90000048  }
0xbd: {  	_ =	sfence  }
0xbe: {  	s30 =	sld [smem:$0x0];
	_ =	sdelay $0x2  }
0xbf: {  	s31 =	sshll.u32 s1, $0xD;
	s1 =	sshrl.u32 s1, $0x2  }
0xc0: {  	s3 =	sand.u32 $0x4000, s31;
	s1 =	sadd.s32 s1, s30  }
0xc1: {  	s0 =	sor.u32 s3, s0;
	s1 =	sshll.u32 s1, $0x11  }
0xc2: {  	s0 =	sor.u32 s1, s0  }
0xc3: {  	s0 =	sadd.s32 $0x8F2B, s0  }
0xc4: {  	[sflag:s0] =	ssyncadd.remote.s32 $0x1  }
0xc5: {  	_ =	sfence.sel $0xFFFF  }
0xc6: {  	[dreg:$0x0] =	wrdreg $0xFFFFFFFF;
	(pc) =	sbr.abs _section_cstart, $3  }
0xc7: {  	[dreg:$0x1] =	wrdreg $0xFFFFFFFF  }
0xc8: {  	_ =	task.clear_ibuf [dreg:s8], $0x2FFFF;
	_ =	strace $0x9FFFFFFF  }
0xc9: {  	(tm) =	ssettm $0x7FFFFFFF  }
tec
execute0_lowered:
.L_overlay_start_1:
0x0: {  	(tag) =	ssettag $0x1  }
0x1: {  	s3 =	rddreg [dreg:$0x0];
	s0 =	srdreg.scid  }
0x2: {  	s19 =	stileid.u32;
	s1 =	rddreg [dreg:$0x1]  }
0x3: {  	s4 =	rddreg [dreg:$0x2];
	s31 =	simm.s32 $0x5;
	s20 =	simm.s32 $0xA0  }
0x4: {  	s21 =	simm.s32 $0xF0;
	s22 =	simm.s32 $0x140;
	s10 =	simm.s32 $0x1  }
0x5: {  	s23 =	simm.s32 $0x190;
	s24 =	simm.s32 $0x1E0;
	s11 =	simm.s32 $0xF680  }
0x6: {  	s25 =	simm.s32 $0x230;
	s0 =	sand.u32 $0x1, s0;
	s2 =	sshll.u32 s19, $0x1  }
0x7: {  	s12 =	simm.s32 $0x11E80;
	s5 =	sor.u32 s0, s2;
	s2 =	simm.s32 $0x0  }
0x8: {  	s26 =	simm.s32 $0x280;
	s8 =	simm.s32 $0x2;
	[smem:$0x7FF] =	sst s2  }
0x9: {  	s28 =	simm.s32 $0x3C0;
	_ =	strace $0x80000047;
	[dreg:$0x9] =	wrdreg s20  }
0xa: {  	s29 =	simm.s32 $0x410;
	s30 =	simm.s32 $0x460;
	[dreg:$0xa] =	wrdreg s21  }
0xb: {  	p0 =	por $0x0, $0x0;
	s9 =	simm.s32 $0x4;
	[dreg:$0xb] =	wrdreg s22  }
0xc: {  	s4 =	sadd.s32 $0x2400, s4;
	s6 =	smul.u32 $0xC8, s5;
	[dreg:$0xc] =	wrdreg s23  }
0xd: {  	s0 =	ssub.s32 $0x2, s0;
	s7 =	smul.u32 $0x32000, s5;
	[dreg:$0xd] =	wrdreg s24  }
0xe: {  	s5 =	smul.u32 $0x6400, s5;
	s16 =	sshrl.u32 s0, $0x1;
	[dreg:$0xe] =	wrdreg s25  }
0xf: {  	s0 =	ssub.s32 s0, s16;
	s16 =	simm.s32 $0x5680;
	[dreg:$0xf] =	wrdreg s26  }
0x10: {  	s25 =	simm.s32 $0x2D0;
	s26 =	simm.s32 $0x370;
	s20 =	simm.s32 $0x4B0  }
0x11: {  	s21 =	simm.s32 $0x500;
	s22 =	simm.s32 $0x550;
	s23 =	simm.s32 $0x5A0  }
0x12: {  	s24 =	simm.s32 $0x5F0;
	s1 =	sadd.s32 s1, s6;
	s13 =	sshrl.u32 s7, $0x3  }
0x13: {  	s14 =	sadd.s32 s4, s5;
	s0 =	smax.u32 s0, $0x1;
	s5 =	simm.s32 $0x50  }
0x14: {  	s7 =	simm.s32 $0x680;
	[dreg:$0x4] =	wrdreg s1;
	s4 =	sadd.s32 s4, s13  }
0x15: {  	[dreg:$0x5] =	wrdreg s14;
	p1 =	sne.s32 s0, $0x1;
	s1 =	sadd.s32 $0xFFFFFFFF, s0  }
.Ltmp0:
0x16: {  	s15 =	sadd.s32 $0x1900, s4;
	s0 =	rddreg [dreg:$0x4];
	(pc) =	sbr.rel @!p1 .LBB2_1-.Ltmp0, $4  }
0x17: {  	s6 =	simm.s32 $0x3;
	s17 =	sadd.s32 $0x3200, s4;
	[dreg:$0x6] =	wrdreg s15  }
0x18: {  	s13 =	simm.s32 $0x14680;
	s18 =	sadd.s32 $0x4B00, s4;
	[dreg:$0x7] =	wrdreg s17  }
0x19: {  	s14 =	simm.s32 $0x16E80;
	s4 =	simm.s32 $0xCE80;
	[dreg:$0x8] =	wrdreg s18  }
0x1a: {  	s15 =	simm.s32 $0x2E80;
	s17 =	simm.s32 $0x7E80;
	s18 =	simm.s32 $0xA680  }
0x1b: {  	[tilespmem:s2], [sflag:$0x5] =	stream.linear.gather [hbm4b:s0+s2], $0x640, $0x38;
	[tilespmem:$0x19680] =	vst v63  }
0x1c: {  	_ =	swait.ge [sflag:s31], $0x640  }
0x1d: {  	[sflag:s31] =	ssyncset.done $0x0  }
0x1e: {  	[sflag:s31] =	ssyncadd.s32 $0xFFFFF9C0  }
0x1f: {  	[tilespmem:s7], [sflag:$0x1] =	stream.indirect.gather [hbm4b:s3+s5], $0x80, s2, s5, $0xb8;
	[tilespmem:$0x19680] =	vst v63  }
0x20: {  	_ = 	snop  }
0x21: {  	[tilespmem:s15], [sflag:$0x1] =	stream.indirect.gather [hbm4b:s3+s5], $0x80, s5, s5, $0xb8;
	[tilespmem:$0x19680] =	vst v63  }
0x22: {  	s0 =	rddreg [dreg:$0x9]  }
0x23: {  	[tilespmem:s16], [sflag:$0x1] =	stream.indirect.gather [hbm4b:s3+s5], $0x80, s0, s5, $0xb8;
	[tilespmem:$0x19680] =	vst v63  }
0x24: {  	s19 =	smov.u32 s1;
	s1 =	rddreg [dreg:$0xa]  }
0x25: {  	[tilespmem:s17], [sflag:$0x1] =	stream.indirect.gather [hbm4b:s3+s5], $0x80, s1, s5, $0xb8;
	[tilespmem:$0x19680] =	vst v63  }
0x26: {  	s0 =	rddreg [dreg:$0xb]  }
0x27: {  	[tilespmem:s18], [sflag:$0x1] =	stream.indirect.gather [hbm4b:s3+s5], $0x80, s0, s5, $0xb8;
	[tilespmem:$0x19680] =	vst v63  }
0x28: {  	_ =	swait.ge [sflag:s10], $0x2800  }
0x29: {  	[sflag:s10] =	ssyncset.done $0x0  }
0x2a: {  	[sflag:s10] =	ssyncadd.s32 $0xFFFFD800  }
0x2b: {  	_ =	swait.ge [sflag:s10], $0x2800  }
0x2c: {  	[sflag:s10] =	ssyncset.done $0x0  }
0x2d: {  	[sflag:s10] =	ssyncadd.s32 $0xFFFFD800  }
0x2e: {  	_ =	swait.ge [sflag:s10], $0x2800  }
0x2f: {  	[sflag:s10] =	ssyncset.done $0x0  }
0x30: {  	[sflag:s10] =	ssyncadd.s32 $0xFFFFD800  }
0x31: {  	_ =	swait.ge [sflag:s10], $0x2800  }
0x32: {  	[sflag:s10] =	ssyncset.done $0x0  }
0x33: {  	[sflag:s10] =	ssyncadd.s32 $0xFFFFD800  }
0x34: {  	_ =	swait.ge [sflag:s10], $0x2800  }
0x35: {  	[sflag:s10] =	ssyncset.done $0x0  }
0x36: {  	s0 =	rddreg [dreg:$0x5];
	[sflag:s10] =	ssyncadd.s32 $0xFFFFD800  }
0x37: {  	[hbm4b:s0+s2] =	stream.linear.scatter [tilespmem:s7], [sflag:$0x3], $0xC800, $0x38;
	[tilespmem:$0x19680] =	vst v63  }
0x38: {  	s1 =	rddreg [dreg:$0xc]  }
0x39: {  	[tilespmem:s4], [sflag:$0x2] =	stream.indirect.gather [hbm4b:s3+s5], $0x80, s1, s5, $0xb8;
	[tilespmem:$0x19680] =	vst v63  }
0x3a: {  	s0 =	rddreg [dreg:$0xd]  }
0x3b: {  	[tilespmem:s11], [sflag:$0x2] =	stream.indirect.gather [hbm4b:s3+s5], $0x80, s0, s5, $0xb8;
	[tilespmem:$0x19680] =	vst v63  }
0x3c: {  	s1 =	rddreg [dreg:$0xe]  }
0x3d: {  	[tilespmem:s12], [sflag:$0x2] =	stream.indirect.gather [hbm4b:s3+s5], $0x80, s1, s5, $0xb8;
	[tilespmem:$0x19680] =	vst v63  }
0x3e: {  	s0 =	rddreg [dreg:$0xf]  }
0x3f: {  	[tilespmem:s13], [sflag:$0x2] =	stream.indirect.gather [hbm4b:s3+s5], $0x80, s0, s5, $0xb8;
	[tilespmem:$0x19680] =	vst v63  }
0x40: {  	_ = 	snop  }
0x41: {  	[tilespmem:s14], [sflag:$0x2] =	stream.indirect.gather [hbm4b:s3+s5], $0x80, s25, s5, $0xb8;
	[tilespmem:$0x19680] =	vst v63  }
0x42: {  	_ =	swait.ge [sflag:s8], $0x2800  }
0x43: {  	[sflag:s8] =	ssyncset.done $0x0  }
0x44: {  	[sflag:s8] =	ssyncadd.s32 $0xFFFFD800  }
0x45: {  	_ =	swait.ge [sflag:s8], $0x2800  }
0x46: {  	[sflag:s8] =	ssyncset.done $0x0  }
0x47: {  	[sflag:s8] =	ssyncadd.s32 $0xFFFFD800  }
0x48: {  	_ =	swait.ge [sflag:s8], $0x2800  }
0x49: {  	[sflag:s8] =	ssyncset.done $0x0  }
0x4a: {  	[sflag:s8] =	ssyncadd.s32 $0xFFFFD800  }
0x4b: {  	_ =	swait.ge [sflag:s8], $0x2800  }
0x4c: {  	[sflag:s8] =	ssyncset.done $0x0  }
0x4d: {  	[sflag:s8] =	ssyncadd.s32 $0xFFFFD800  }
0x4e: {  	_ =	swait.ge [sflag:s8], $0x2800  }
0x4f: {  	[sflag:s8] =	ssyncset.done $0x0  }
0x50: {  	s1 =	rddreg [dreg:$0x6];
	[sflag:s8] =	ssyncadd.s32 $0xFFFFD800  }
0x51: {  	[hbm4b:s1+s2] =	stream.linear.scatter [tilespmem:s4], [sflag:$0x4], $0xC800, $0x38;
	[tilespmem:$0x19680] =	vst v63  }
0x52: {  	_ =	swait.ge [sflag:s6], $0xC800  }
0x53: {  	[sflag:s6] =	ssyncset.done $0x0  }
0x54: {  	s1 =	simm.s32 $0x320;
	[sflag:s6] =	ssyncadd.s32 $0xFFFF3800  }
0x55: {  	[tilespmem:s7], [sflag:$0x1] =	stream.indirect.gather [hbm4b:s3+s5], $0x80, s1, s5, $0xb8;
	[tilespmem:$0x19680] =	vst v63  }
0x56: {  	_ = 	snop  }
0x57: {  	[tilespmem:s15], [sflag:$0x1] =	stream.indirect.gather [hbm4b:s3+s5], $0x80, s26, s5, $0xb8;
	[tilespmem:$0x19680] =	vst v63  }
0x58: {  	_ = 	snop  }
0x59: {  	[tilespmem:s16], [sflag:$0x1] =	stream.indirect.gather [hbm4b:s3+s5], $0x80, s28, s5, $0xb8;
	[tilespmem:$0x19680] =	vst v63  }
0x5a: {  	_ = 	snop  }
0x5b: {  	[tilespmem:s17], [sflag:$0x1] =	stream.indirect.gather [hbm4b:s3+s5], $0x80, s29, s5, $0xb8;
	[tilespmem:$0x19680] =	vst v63  }
0x5c: {  	_ = 	snop  }
0x5d: {  	[tilespmem:s18], [sflag:$0x1] =	stream.indirect.gather [hbm4b:s3+s5], $0x80, s30, s5, $0xb8;
	[tilespmem:$0x19680] =	vst v63  }
0x5e: {  	_ =	swait.ge [sflag:s10], $0x2800  }
0x5f: {  	[sflag:s10] =	ssyncset.done $0x0  }
0x60: {  	[sflag:s10] =	ssyncadd.s32 $0xFFFFD800  }
0x61: {  	_ =	swait.ge [sflag:s10], $0x2800  }
0x62: {  	[sflag:s10] =	ssyncset.done $0x0  }
0x63: {  	[sflag:s10] =	ssyncadd.s32 $0xFFFFD800  }
0x64: {  	_ =	swait.ge [sflag:s10], $0x2800  }
0x65: {  	[sflag:s10] =	ssyncset.done $0x0  }
0x66: {  	[sflag:s10] =	ssyncadd.s32 $0xFFFFD800  }
0x67: {  	_ =	swait.ge [sflag:s10], $0x2800  }
0x68: {  	[sflag:s10] =	ssyncset.done $0x0  }
0x69: {  	[sflag:s10] =	ssyncadd.s32 $0xFFFFD800  }
0x6a: {  	_ =	swait.ge [sflag:s10], $0x2800  }
0x6b: {  	[sflag:s10] =	ssyncset.done $0x0  }
0x6c: {  	s1 =	rddreg [dreg:$0x7];
	[sflag:s10] =	ssyncadd.s32 $0xFFFFD800  }
0x6d: {  	[hbm4b:s1+s2] =	stream.linear.scatter [tilespmem:s7], [sflag:$0x3], $0xC800, $0x38;
	[tilespmem:$0x19680] =	vst v63  }
0x6e: {  	_ =	swait.ge [sflag:s9], $0xC800  }
0x6f: {  	[sflag:s9] =	ssyncset.done $0x0  }
0x70: {  	[sflag:s9] =	ssyncadd.s32 $0xFFFF3800  }
0x71: {  	[tilespmem:s4], [sflag:$0x2] =	stream.indirect.gather [hbm4b:s3+s5], $0x80, s20, s5, $0xb8;
	[tilespmem:$0x19680] =	vst v63  }
0x72: {  	_ = 	snop  }
0x73: {  	[tilespmem:s11], [sflag:$0x2] =	stream.indirect.gather [hbm4b:s3+s5], $0x80, s21, s5, $0xb8;
	[tilespmem:$0x19680] =	vst v63  }
0x74: {  	_ = 	snop  }
0x75: {  	[tilespmem:s12], [sflag:$0x2] =	stream.indirect.gather [hbm4b:s3+s5], $0x80, s22, s5, $0xb8;
	[tilespmem:$0x19680] =	vst v63  }
0x76: {  	_ = 	snop  }
0x77: {  	[tilespmem:s13], [sflag:$0x2] =	stream.indirect.gather [hbm4b:s3+s5], $0x80, s23, s5, $0xb8;
	[tilespmem:$0x19680] =	vst v63  }
0x78: {  	_ = 	snop  }
0x79: {  	[tilespmem:s14], [sflag:$0x2] =	stream.indirect.gather [hbm4b:s3+s5], $0x80, s24, s5, $0xb8;
	[tilespmem:$0x19680] =	vst v63  }
0x7a: {  	_ =	swait.ge [sflag:s8], $0x2800  }
0x7b: {  	[sflag:s8] =	ssyncset.done $0x0  }
0x7c: {  	[sflag:s8] =	ssyncadd.s32 $0xFFFFD800  }
0x7d: {  	_ =	swait.ge [sflag:s8], $0x2800  }
0x7e: {  	[sflag:s8] =	ssyncset.done $0x0  }
0x7f: {  	[sflag:s8] =	ssyncadd.s32 $0xFFFFD800  }
0x80: {  	_ =	swait.ge [sflag:s8], $0x2800  }
0x81: {  	[sflag:s8] =	ssyncset.done $0x0  }
0x82: {  	[sflag:s8] =	ssyncadd.s32 $0xFFFFD800  }
0x83: {  	_ =	swait.ge [sflag:s8], $0x2800  }
0x84: {  	[sflag:s8] =	ssyncset.done $0x0  }
0x85: {  	[sflag:s8] =	ssyncadd.s32 $0xFFFFD800  }
0x86: {  	_ =	swait.ge [sflag:s8], $0x2800  }
0x87: {  	[sflag:s8] =	ssyncset.done $0x0  }
0x88: {  	p1 =	sne.s32 s19, $0x1;
	s1 =	rddreg [dreg:$0x8];
	[sflag:s8] =	ssyncadd.s32 $0xFFFFD800  }
0x89: {  	[hbm4b:s1+s2] =	stream.linear.scatter [tilespmem:s4], [sflag:$0x4], $0xC800, $0x38;
	[tilespmem:$0x19680] =	vst v63  }
.Ltmp1:
0x8a: {  	_ =	swait.ge [sflag:s6], $0xC800;
	(pc) =	sbr.rel @!p1 .LBB2_3-.Ltmp1, $4  }
0x8b: {  	[sflag:s6] =	ssyncset.done $0x0  }
0x8c: {  	[sflag:s6] =	ssyncadd.s32 $0xFFFF3800  }
0x8d: {  	p0 =	por $0x1, $0x1;
	_ =	swait.ge [sflag:s9], $0xC800  }
0x8e: {  	s1 =	sadd.s32 $0xFFFFFFFF, s19;
	s0 =	rddreg [dreg:$0x4];
	[sflag:s9] =	ssyncset.done $0x0  }
.LBB2_4:
0x8f: {  	[sflag:s9] =	ssyncadd.s32 $0xFFFF3800  }
0x90: {  	[tilespmem:s2], [sflag:$0x5] =	stream.linear.gather [hbm4b:s0+s2], $0x640, $0x38;
	[tilespmem:$0x19680] =	vst v63  }
0x91: {  	_ =	swait.ge [sflag:s31], $0x640  }
0x92: {  	[sflag:s31] =	ssyncset.done $0x0  }
0x93: {  	[sflag:s31] =	ssyncadd.s32 $0xFFFFF9C0  }
0x94: {  	[tilespmem:s7], [sflag:$0x1] =	stream.indirect.gather [hbm4b:s3+s5], $0x80, s2, s5, $0xb8;
	[tilespmem:$0x19680] =	vst v63  }
0x95: {  	_ = 	snop  }
0x96: {  	[tilespmem:s15], [sflag:$0x1] =	stream.indirect.gather [hbm4b:s3+s5], $0x80, s5, s5, $0xb8;
	[tilespmem:$0x19680] =	vst v63  }
0x97: {  	s0 =	rddreg [dreg:$0x9]  }
0x98: {  	[tilespmem:s16], [sflag:$0x1] =	stream.indirect.gather [hbm4b:s3+s5], $0x80, s0, s5, $0xb8;
	[tilespmem:$0x19680] =	vst v63  }
0x99: {  	s19 =	rddreg [dreg:$0xa]  }
0x9a: {  	[tilespmem:s17], [sflag:$0x1] =	stream.indirect.gather [hbm4b:s3+s5], $0x80, s19, s5, $0xb8;
	[tilespmem:$0x19680] =	vst v63  }
0x9b: {  	s0 =	rddreg [dreg:$0xb]  }
0x9c: {  	[tilespmem:s18], [sflag:$0x1] =	stream.indirect.gather [hbm4b:s3+s5], $0x80, s0, s5, $0xb8;
	[tilespmem:$0x19680] =	vst v63  }
0x9d: {  	_ =	swait.ge [sflag:s10], $0x2800  }
0x9e: {  	[sflag:s10] =	ssyncset.done $0x0  }
0x9f: {  	[sflag:s10] =	ssyncadd.s32 $0xFFFFD800  }
0xa0: {  	_ =	swait.ge [sflag:s10], $0x2800  }
0xa1: {  	[sflag:s10] =	ssyncset.done $0x0  }
0xa2: {  	[sflag:s10] =	ssyncadd.s32 $0xFFFFD800  }
0xa3: {  	_ =	swait.ge [sflag:s10], $0x2800  }
0xa4: {  	[sflag:s10] =	ssyncset.done $0x0  }
0xa5: {  	[sflag:s10] =	ssyncadd.s32 $0xFFFFD800  }
0xa6: {  	_ =	swait.ge [sflag:s10], $0x2800  }
0xa7: {  	[sflag:s10] =	ssyncset.done $0x0  }
0xa8: {  	[sflag:s10] =	ssyncadd.s32 $0xFFFFD800  }
0xa9: {  	_ =	swait.ge [sflag:s10], $0x2800  }
0xaa: {  	[sflag:s10] =	ssyncset.done $0x0  }
0xab: {  	s0 =	rddreg [dreg:$0x5];
	[sflag:s10] =	ssyncadd.s32 $0xFFFFD800  }
0xac: {  	[hbm4b:s0+s2] =	stream.linear.scatter [tilespmem:s7], [sflag:$0x3], $0xC800, $0x38;
	[tilespmem:$0x19680] =	vst v63  }
0xad: {  	s19 =	rddreg [dreg:$0xc]  }
0xae: {  	[tilespmem:s4], [sflag:$0x2] =	stream.indirect.gather [hbm4b:s3+s5], $0x80, s19, s5, $0xb8;
	[tilespmem:$0x19680] =	vst v63  }
0xaf: {  	s0 =	rddreg [dreg:$0xd]  }
0xb0: {  	[tilespmem:s11], [sflag:$0x2] =	stream.indirect.gather [hbm4b:s3+s5], $0x80, s0, s5, $0xb8;
	[tilespmem:$0x19680] =	vst v63  }
0xb1: {  	s19 =	rddreg [dreg:$0xe]  }
0xb2: {  	[tilespmem:s12], [sflag:$0x2] =	stream.indirect.gather [hbm4b:s3+s5], $0x80, s19, s5, $0xb8;
	[tilespmem:$0x19680] =	vst v63  }
0xb3: {  	s0 =	rddreg [dreg:$0xf]  }
0xb4: {  	[tilespmem:s13], [sflag:$0x2] =	stream.indirect.gather [hbm4b:s3+s5], $0x80, s0, s5, $0xb8;
	[tilespmem:$0x19680] =	vst v63  }
0xb5: {  	_ = 	snop  }
0xb6: {  	[tilespmem:s14], [sflag:$0x2] =	stream.indirect.gather [hbm4b:s3+s5], $0x80, s25, s5, $0xb8;
	[tilespmem:$0x19680] =	vst v63  }
0xb7: {  	_ =	swait.ge [sflag:s8], $0x2800  }
0xb8: {  	[sflag:s8] =	ssyncset.done $0x0  }
0xb9: {  	[sflag:s8] =	ssyncadd.s32 $0xFFFFD800  }
0xba: {  	_ =	swait.ge [sflag:s8], $0x2800  }
0xbb: {  	[sflag:s8] =	ssyncset.done $0x0  }
0xbc: {  	[sflag:s8] =	ssyncadd.s32 $0xFFFFD800  }
0xbd: {  	_ =	swait.ge [sflag:s8], $0x2800  }
0xbe: {  	[sflag:s8] =	ssyncset.done $0x0  }
0xbf: {  	[sflag:s8] =	ssyncadd.s32 $0xFFFFD800  }
0xc0: {  	_ =	swait.ge [sflag:s8], $0x2800  }
0xc1: {  	[sflag:s8] =	ssyncset.done $0x0  }
0xc2: {  	[sflag:s8] =	ssyncadd.s32 $0xFFFFD800  }
0xc3: {  	_ =	swait.ge [sflag:s8], $0x2800  }
0xc4: {  	[sflag:s8] =	ssyncset.done $0x0  }
0xc5: {  	s19 =	rddreg [dreg:$0x6];
	[sflag:s8] =	ssyncadd.s32 $0xFFFFD800  }
0xc6: {  	[hbm4b:s19+s2] =	stream.linear.scatter [tilespmem:s4], [sflag:$0x4], $0xC800, $0x38;
	[tilespmem:$0x19680] =	vst v63  }
0xc7: {  	_ =	swait.ge [sflag:s6], $0xC800  }
0xc8: {  	[sflag:s6] =	ssyncset.done $0x0  }
0xc9: {  	s19 =	simm.s32 $0x320;
	[sflag:s6] =	ssyncadd.s32 $0xFFFF3800  }
0xca: {  	[tilespmem:s7], [sflag:$0x1] =	stream.indirect.gather [hbm4b:s3+s5], $0x80, s19, s5, $0xb8;
	[tilespmem:$0x19680] =	vst v63  }
0xcb: {  	_ = 	snop  }
0xcc: {  	[tilespmem:s15], [sflag:$0x1] =	stream.indirect.gather [hbm4b:s3+s5], $0x80, s26, s5, $0xb8;
	[tilespmem:$0x19680] =	vst v63  }
0xcd: {  	_ = 	snop  }
0xce: {  	[tilespmem:s16], [sflag:$0x1] =	stream.indirect.gather [hbm4b:s3+s5], $0x80, s28, s5, $0xb8;
	[tilespmem:$0x19680] =	vst v63  }
0xcf: {  	_ = 	snop  }
0xd0: {  	[tilespmem:s17], [sflag:$0x1] =	stream.indirect.gather [hbm4b:s3+s5], $0x80, s29, s5, $0xb8;
	[tilespmem:$0x19680] =	vst v63  }
0xd1: {  	_ = 	snop  }
0xd2: {  	[tilespmem:s18], [sflag:$0x1] =	stream.indirect.gather [hbm4b:s3+s5], $0x80, s30, s5, $0xb8;
	[tilespmem:$0x19680] =	vst v63  }
0xd3: {  	_ =	swait.ge [sflag:s10], $0x2800  }
0xd4: {  	[sflag:s10] =	ssyncset.done $0x0  }
0xd5: {  	[sflag:s10] =	ssyncadd.s32 $0xFFFFD800  }
0xd6: {  	_ =	swait.ge [sflag:s10], $0x2800  }
0xd7: {  	[sflag:s10] =	ssyncset.done $0x0  }
0xd8: {  	[sflag:s10] =	ssyncadd.s32 $0xFFFFD800  }
0xd9: {  	_ =	swait.ge [sflag:s10], $0x2800  }
0xda: {  	[sflag:s10] =	ssyncset.done $0x0  }
0xdb: {  	[sflag:s10] =	ssyncadd.s32 $0xFFFFD800  }
0xdc: {  	_ =	swait.ge [sflag:s10], $0x2800  }
0xdd: {  	[sflag:s10] =	ssyncset.done $0x0  }
0xde: {  	[sflag:s10] =	ssyncadd.s32 $0xFFFFD800  }
0xdf: {  	_ =	swait.ge [sflag:s10], $0x2800  }
0xe0: {  	[sflag:s10] =	ssyncset.done $0x0  }
0xe1: {  	s19 =	rddreg [dreg:$0x7];
	[sflag:s10] =	ssyncadd.s32 $0xFFFFD800  }
0xe2: {  	[hbm4b:s19+s2] =	stream.linear.scatter [tilespmem:s7], [sflag:$0x3], $0xC800, $0x38;
	[tilespmem:$0x19680] =	vst v63  }
0xe3: {  	_ =	swait.ge [sflag:s9], $0xC800  }
0xe4: {  	[sflag:s9] =	ssyncset.done $0x0  }
0xe5: {  	[sflag:s9] =	ssyncadd.s32 $0xFFFF3800  }
0xe6: {  	[tilespmem:s4], [sflag:$0x2] =	stream.indirect.gather [hbm4b:s3+s5], $0x80, s20, s5, $0xb8;
	[tilespmem:$0x19680] =	vst v63  }
0xe7: {  	_ = 	snop  }
0xe8: {  	[tilespmem:s11], [sflag:$0x2] =	stream.indirect.gather [hbm4b:s3+s5], $0x80, s21, s5, $0xb8;
	[tilespmem:$0x19680] =	vst v63  }
0xe9: {  	_ = 	snop  }
0xea: {  	[tilespmem:s12], [sflag:$0x2] =	stream.indirect.gather [hbm4b:s3+s5], $0x80, s22, s5, $0xb8;
	[tilespmem:$0x19680] =	vst v63  }
0xeb: {  	_ = 	snop  }
0xec: {  	[tilespmem:s13], [sflag:$0x2] =	stream.indirect.gather [hbm4b:s3+s5], $0x80, s23, s5, $0xb8;
	[tilespmem:$0x19680] =	vst v63  }
0xed: {  	_ = 	snop  }
0xee: {  	[tilespmem:s14], [sflag:$0x2] =	stream.indirect.gather [hbm4b:s3+s5], $0x80, s24, s5, $0xb8;
	[tilespmem:$0x19680] =	vst v63  }
0xef: {  	_ =	swait.ge [sflag:s8], $0x2800  }
0xf0: {  	[sflag:s8] =	ssyncset.done $0x0  }
0xf1: {  	[sflag:s8] =	ssyncadd.s32 $0xFFFFD800  }
0xf2: {  	_ =	swait.ge [sflag:s8], $0x2800  }
0xf3: {  	[sflag:s8] =	ssyncset.done $0x0  }
0xf4: {  	[sflag:s8] =	ssyncadd.s32 $0xFFFFD800  }
0xf5: {  	_ =	swait.ge [sflag:s8], $0x2800  }
0xf6: {  	[sflag:s8] =	ssyncset.done $0x0  }
0xf7: {  	[sflag:s8] =	ssyncadd.s32 $0xFFFFD800  }
0xf8: {  	_ =	swait.ge [sflag:s8], $0x2800  }
0xf9: {  	[sflag:s8] =	ssyncset.done $0x0  }
0xfa: {  	[sflag:s8] =	ssyncadd.s32 $0xFFFFD800  }
0xfb: {  	_ =	swait.ge [sflag:s8], $0x2800  }
0xfc: {  	[sflag:s8] =	ssyncset.done $0x0  }
0xfd: {  	p1 =	sne.s32 s1, $0x1;
	s19 =	rddreg [dreg:$0x8];
	[sflag:s8] =	ssyncadd.s32 $0xFFFFD800  }
0xfe: {  	[hbm4b:s19+s2] =	stream.linear.scatter [tilespmem:s4], [sflag:$0x4], $0xC800, $0x38;
	[tilespmem:$0x19680] =	vst v63  }
.Ltmp2:
0xff: {  	_ =	swait.ge [sflag:s6], $0xC800;
	(pc) =	sbr.rel @p1 .LBB2_4-.Ltmp2, $4  }
0x100: {  	[sflag:s6] =	ssyncset.done $0x0  }
0x101: {  	[sflag:s6] =	ssyncadd.s32 $0xFFFF3800  }
0x102: {  	_ =	swait.ge [sflag:s9], $0xC800  }
0x103: {  	s1 =	sadd.s32 $0xFFFFFFFF, s1;
	s0 =	rddreg [dreg:$0x4];
	[sflag:s9] =	ssyncset.done $0x0  }
0x104: {  	s24 =	simm.s32 $0x2D0;
	s30 =	simm.s32 $0x460  }
0x105: {  	s29 =	simm.s32 $0x410;
	s28 =	simm.s32 $0x3C0;
	s26 =	simm.s32 $0x370  }
0x106: {  	s25 =	simm.s32 $0x320;
	s23 =	simm.s32 $0x5A0;
	s22 =	simm.s32 $0x550  }
0x107: {  	s21 =	simm.s32 $0x500;
	s20 =	simm.s32 $0x4B0;
	s19 =	stileid.u32  }
.LBB2_6:
0x108: {  	[sflag:s9] =	ssyncadd.s32 @p0 $0xFFFF3800  }
0x109: {  	[tilespmem:s2], [sflag:$0x5] =	stream.linear.gather [hbm4b:s0+s2], $0x640, $0x38;
	[tilespmem:$0x19680] =	vst v63  }
0x10a: {  	_ =	swait.ge [sflag:s31], $0x640  }
0x10b: {  	[sflag:s31] =	ssyncset.done $0x0  }
0x10c: {  	[sflag:s31] =	ssyncadd.s32 $0xFFFFF9C0  }
0x10d: {  	[tilespmem:s7], [sflag:$0x1] =	stream.indirect.gather [hbm4b:s3+s5], $0x80, s2, s5, $0xb8;
	[tilespmem:$0x19680] =	vst v63  }
0x10e: {  	_ = 	snop  }
0x10f: {  	[tilespmem:s15], [sflag:$0x1] =	stream.indirect.gather [hbm4b:s3+s5], $0x80, s5, s5, $0xb8;
	[tilespmem:$0x19680] =	vst v63  }
0x110: {  	s31 =	rddreg [dreg:$0x9]  }
0x111: {  	[tilespmem:s16], [sflag:$0x1] =	stream.indirect.gather [hbm4b:s3+s5], $0x80, s31, s5, $0xb8;
	[tilespmem:$0x19680] =	vst v63  }
0x112: {  	s1 =	rddreg [dreg:$0xa]  }
0x113: {  	[tilespmem:s17], [sflag:$0x1] =	stream.indirect.gather [hbm4b:s3+s5], $0x80, s1, s5, $0xb8;
	[tilespmem:$0x19680] =	vst v63  }
0x114: {  	s31 =	rddreg [dreg:$0xb]  }
0x115: {  	[tilespmem:s18], [sflag:$0x1] =	stream.indirect.gather [hbm4b:s3+s5], $0x80, s31, s5, $0xb8;
	[tilespmem:$0x19680] =	vst v63  }
0x116: {  	_ =	swait.ge [sflag:s10], $0x2800  }
0x117: {  	[sflag:s10] =	ssyncset.done $0x0  }
0x118: {  	[sflag:s10] =	ssyncadd.s32 $0xFFFFD800  }
0x119: {  	_ =	swait.ge [sflag:s10], $0x2800  }
0x11a: {  	[sflag:s10] =	ssyncset.done $0x0  }
0x11b: {  	[sflag:s10] =	ssyncadd.s32 $0xFFFFD800  }
0x11c: {  	_ =	swait.ge [sflag:s10], $0x2800  }
0x11d: {  	[sflag:s10] =	ssyncset.done $0x0  }
0x11e: {  	[sflag:s10] =	ssyncadd.s32 $0xFFFFD800  }
0x11f: {  	_ =	swait.ge [sflag:s10], $0x2800  }
0x120: {  	[sflag:s10] =	ssyncset.done $0x0  }
0x121: {  	[sflag:s10] =	ssyncadd.s32 $0xFFFFD800  }
0x122: {  	_ =	swait.ge [sflag:s10], $0x2800  }
0x123: {  	[sflag:s10] =	ssyncset.done $0x0  }
0x124: {  	s31 =	rddreg [dreg:$0x5];
	[sflag:s10] =	ssyncadd.s32 $0xFFFFD800  }
0x125: {  	[hbm4b:s31+s2] =	stream.linear.scatter [tilespmem:s7], [sflag:$0x3], $0xC800, $0x38;
	[tilespmem:$0x19680] =	vst v63  }
0x126: {  	s1 =	rddreg [dreg:$0xc]  }
0x127: {  	[tilespmem:s4], [sflag:$0x2] =	stream.indirect.gather [hbm4b:s3+s5], $0x80, s1, s5, $0xb8;
	[tilespmem:$0x19680] =	vst v63  }
0x128: {  	s31 =	rddreg [dreg:$0xd]  }
0x129: {  	[tilespmem:s11], [sflag:$0x2] =	stream.indirect.gather [hbm4b:s3+s5], $0x80, s31, s5, $0xb8;
	[tilespmem:$0x19680] =	vst v63  }
0x12a: {  	s1 =	rddreg [dreg:$0xe]  }
0x12b: {  	[tilespmem:s12], [sflag:$0x2] =	stream.indirect.gather [hbm4b:s3+s5], $0x80, s1, s5, $0xb8;
	[tilespmem:$0x19680] =	vst v63  }
0x12c: {  	s31 =	rddreg [dreg:$0xf]  }
0x12d: {  	[tilespmem:s13], [sflag:$0x2] =	stream.indirect.gather [hbm4b:s3+s5], $0x80, s31, s5, $0xb8;
	[tilespmem:$0x19680] =	vst v63  }
0x12e: {  	_ = 	snop  }
0x12f: {  	[tilespmem:s14], [sflag:$0x2] =	stream.indirect.gather [hbm4b:s3+s5], $0x80, s24, s5, $0xb8;
	[tilespmem:$0x19680] =	vst v63  }
0x130: {  	_ =	swait.ge [sflag:s8], $0x2800  }
0x131: {  	[sflag:s8] =	ssyncset.done $0x0  }
0x132: {  	[sflag:s8] =	ssyncadd.s32 $0xFFFFD800  }
0x133: {  	_ =	swait.ge [sflag:s8], $0x2800  }
0x134: {  	[sflag:s8] =	ssyncset.done $0x0  }
0x135: {  	[sflag:s8] =	ssyncadd.s32 $0xFFFFD800  }
0x136: {  	_ =	swait.ge [sflag:s8], $0x2800  }
0x137: {  	[sflag:s8] =	ssyncset.done $0x0  }
0x138: {  	[sflag:s8] =	ssyncadd.s32 $0xFFFFD800  }
0x139: {  	_ =	swait.ge [sflag:s8], $0x2800  }
0x13a: {  	[sflag:s8] =	ssyncset.done $0x0  }
0x13b: {  	[sflag:s8] =	ssyncadd.s32 $0xFFFFD800  }
0x13c: {  	_ =	swait.ge [sflag:s8], $0x2800  }
0x13d: {  	[sflag:s8] =	ssyncset.done $0x0  }
0x13e: {  	s24 =	rddreg [dreg:$0x6];
	[sflag:s8] =	ssyncadd.s32 $0xFFFFD800  }
0x13f: {  	[hbm4b:s24+s2] =	stream.linear.scatter [tilespmem:s4], [sflag:$0x4], $0xC800, $0x38;
	[tilespmem:$0x19680] =	vst v63  }
0x140: {  	_ =	swait.ge [sflag:s6], $0xC800  }
0x141: {  	[sflag:s6] =	ssyncset.done $0x0  }
0x142: {  	[sflag:s6] =	ssyncadd.s32 $0xFFFF3800  }
0x143: {  	[tilespmem:s7], [sflag:$0x1] =	stream.indirect.gather [hbm4b:s3+s5], $0x80, s25, s5, $0xb8;
	[tilespmem:$0x19680] =	vst v63  }
0x144: {  	_ = 	snop  }
0x145: {  	[tilespmem:s15], [sflag:$0x1] =	stream.indirect.gather [hbm4b:s3+s5], $0x80, s26, s5, $0xb8;
	[tilespmem:$0x19680] =	vst v63  }
0x146: {  	_ = 	snop  }
0x147: {  	[tilespmem:s16], [sflag:$0x1] =	stream.indirect.gather [hbm4b:s3+s5], $0x80, s28, s5, $0xb8;
	[tilespmem:$0x19680] =	vst v63  }
0x148: {  	_ = 	snop  }
0x149: {  	[tilespmem:s17], [sflag:$0x1] =	stream.indirect.gather [hbm4b:s3+s5], $0x80, s29, s5, $0xb8;
	[tilespmem:$0x19680] =	vst v63  }
0x14a: {  	_ = 	snop  }
0x14b: {  	[tilespmem:s18], [sflag:$0x1] =	stream.indirect.gather [hbm4b:s3+s5], $0x80, s30, s5, $0xb8;
	[tilespmem:$0x19680] =	vst v63  }
0x14c: {  	_ =	swait.ge [sflag:s10], $0x2800  }
0x14d: {  	[sflag:s10] =	ssyncset.done $0x0  }
0x14e: {  	[sflag:s10] =	ssyncadd.s32 $0xFFFFD800  }
0x14f: {  	_ =	swait.ge [sflag:s10], $0x2800  }
0x150: {  	[sflag:s10] =	ssyncset.done $0x0  }
0x151: {  	[sflag:s10] =	ssyncadd.s32 $0xFFFFD800  }
0x152: {  	_ =	swait.ge [sflag:s10], $0x2800  }
0x153: {  	[sflag:s10] =	ssyncset.done $0x0  }
0x154: {  	[sflag:s10] =	ssyncadd.s32 $0xFFFFD800  }
0x155: {  	_ =	swait.ge [sflag:s10], $0x2800  }
0x156: {  	[sflag:s10] =	ssyncset.done $0x0  }
0x157: {  	[sflag:s10] =	ssyncadd.s32 $0xFFFFD800  }
0x158: {  	_ =	swait.ge [sflag:s10], $0x2800  }
0x159: {  	[sflag:s10] =	ssyncset.done $0x0  }
0x15a: {  	s29 =	rddreg [dreg:$0x7];
	[sflag:s10] =	ssyncadd.s32 $0xFFFFD800  }
0x15b: {  	[hbm4b:s29+s2] =	stream.linear.scatter [tilespmem:s7], [sflag:$0x3], $0xC800, $0x38;
	[tilespmem:$0x19680] =	vst v63  }
0x15c: {  	_ =	swait.ge [sflag:s9], $0xC800  }
0x15d: {  	[sflag:s9] =	ssyncset.done $0x0  }
0x15e: {  	[sflag:s9] =	ssyncadd.s32 $0xFFFF3800  }
0x15f: {  	[tilespmem:s4], [sflag:$0x2] =	stream.indirect.gather [hbm4b:s3+s5], $0x80, s20, s5, $0xb8;
	[tilespmem:$0x19680] =	vst v63  }
0x160: {  	_ = 	snop  }
0x161: {  	[tilespmem:s11], [sflag:$0x2] =	stream.indirect.gather [hbm4b:s3+s5], $0x80, s21, s5, $0xb8;
	[tilespmem:$0x19680] =	vst v63  }
0x162: {  	_ = 	snop  }
0x163: {  	[tilespmem:s12], [sflag:$0x2] =	stream.indirect.gather [hbm4b:s3+s5], $0x80, s22, s5, $0xb8;
	[tilespmem:$0x19680] =	vst v63  }
0x164: {  	_ = 	snop  }
0x165: {  	[tilespmem:s13], [sflag:$0x2] =	stream.indirect.gather [hbm4b:s3+s5], $0x80, s23, s5, $0xb8;
	[tilespmem:$0x19680] =	vst v63  }
0x166: {  	s30 =	simm.s32 $0x5F0  }
0x167: {  	[tilespmem:s14], [sflag:$0x2] =	stream.indirect.gather [hbm4b:s3+s5], $0x80, s30, s5, $0xb8;
	[tilespmem:$0x19680] =	vst v63  }
0x168: {  	_ =	swait.ge [sflag:s8], $0x2800  }
0x169: {  	[sflag:s8] =	ssyncset.done $0x0  }
0x16a: {  	[sflag:s8] =	ssyncadd.s32 $0xFFFFD800  }
0x16b: {  	_ =	swait.ge [sflag:s8], $0x2800  }
0x16c: {  	[sflag:s8] =	ssyncset.done $0x0  }
0x16d: {  	[sflag:s8] =	ssyncadd.s32 $0xFFFFD800  }
0x16e: {  	_ =	swait.ge [sflag:s8], $0x2800  }
0x16f: {  	[sflag:s8] =	ssyncset.done $0x0  }
0x170: {  	[sflag:s8] =	ssyncadd.s32 $0xFFFFD800  }
0x171: {  	_ =	swait.ge [sflag:s8], $0x2800  }
0x172: {  	[sflag:s8] =	ssyncset.done $0x0  }
0x173: {  	[sflag:s8] =	ssyncadd.s32 $0xFFFFD800  }
0x174: {  	_ =	swait.ge [sflag:s8], $0x2800  }
0x175: {  	[sflag:s8] =	ssyncset.done $0x0  }
0x176: {  	s31 =	rddreg [dreg:$0x8];
	[sflag:s8] =	ssyncadd.s32 $0xFFFFD800  }
0x177: {  	[hbm4b:s31+s2] =	stream.linear.scatter [tilespmem:s4], [sflag:$0x4], $0xC800, $0x38;
	[tilespmem:$0x19680] =	vst v63  }
0x178: {  	_ =	swait.ge [sflag:s6], $0xC800  }
0x179: {  	[sflag:s6] =	ssyncset.done $0x0  }
0x17a: {  	[sflag:s6] =	ssyncadd.s32 $0xFFFF3800  }
0x17b: {  	_ =	swait.ge [sflag:s9], $0xC800  }
0x17c: {  	[sflag:s9] =	ssyncset.done $0x0  }
0x17d: {  	[sflag:s9] =	ssyncadd.s32 $0xFFFF3800  }
0x17e: {  	_ =	sfence.sel $0x180000  }
0x17f: {  	[bflag:$0x0] =	sbarrier.arrive $0xFFFF  }
0x180: {  	_ =	strace $0x90000047  }
0x181: {  	[bflag:$0x2] =	sbarrier.arrive $0xFFFF  }
0x182: {  	p0 =	sne.s32 s19, $0x0;
	s0 =	rddreg [dreg:$0x3]  }
0x183: {  	s0 =	sadd.s32 @!p0 $0x100000, s0  }
0x184: {  	[sflag:s0] =	ssyncadd.tile.s32 @!p0 $0x1;
	_ =	shalt  }
.LBB2_1:
.Ltmp3:
0x185: {  	(pc) =	sbr.rel .LBB2_6-.Ltmp3, $4  }
0x186: {  	s24 =	simm.s32 $0x2D0  }
0x187: {  	s30 =	simm.s32 $0x460;
	s29 =	simm.s32 $0x410;
	s28 =	simm.s32 $0x3C0  }
0x188: {  	s26 =	simm.s32 $0x370;
	s25 =	simm.s32 $0x320;
	s23 =	simm.s32 $0x5A0  }
0x189: {  	s22 =	simm.s32 $0x550;
	s21 =	simm.s32 $0x500;
	s20 =	simm.s32 $0x4B0  }
.LBB2_3:
.Ltmp4:
0x18a: {  	(pc) =	sbr.rel .LBB2_6-.Ltmp4, $4  }
0x18b: {  	s24 =	simm.s32 $0x2D0;
	s30 =	simm.s32 $0x460  }
0x18c: {  	s29 =	simm.s32 $0x410;
	s28 =	simm.s32 $0x3C0;
	s26 =	simm.s32 $0x370  }
0x18d: {  	s25 =	simm.s32 $0x320;
	s23 =	simm.s32 $0x5A0;
	s22 =	simm.s32 $0x550  }
0x18e: {  	s21 =	simm.s32 $0x500;
	s20 =	simm.s32 $0x4B0;
	s19 =	stileid.u32  }
.Lfunc_end2:
_tile_overlayer_lowered:
.L_overlay_start_2:
0x18f: {  	(tag) =	ssettag $0x2  }
0x190: {  	s0 =	rddreg [dreg:$0x0];
	s2 =	stileid.u32  }
0x191: {  	s1 =	rddreg [dreg:$0x1];
	p0 =	sne.s32 s2, $0x0  }
0x192: {  	s3 =	rddreg [dreg:$0x2];
	[bflag:$0x3] =	sbarrier.arrive $0xFFFF;
	s2 =	simm.s32 @!p0 $0x1C05  }
0x193: {  	[timem:s3], [sflag:s2] =	dma.local @!p0 [hbm:s0], s1  }
0x194: {  	s0 =	simm.s32 @!p0 $0x5  }
0x195: {  	_ =	swait.ge @!p0 [sflag:s0], s1  }
0x196: {  	s1 =	ssub.s32 @!p0 $0x0, s1;
	[sflag:s0] =	ssyncset.done @!p0 $0x0  }
0x197: {  	[sflag:s0] =	ssyncadd.s32 @!p0 s1  }
0x198: {  	[bflag:$0x3] =	sbarrier.arrive $0xFFFF  }
0x199: {  	_ =	shalt  }

</sc_bundles>
